<compile_context>
chip_gen: v7x
topology: tpu7x:2x2x1
jax: 0.10.2.dev20260603
libtpu: 0.0.44.dev20260713+nightly
codegen_flags: <defaults>
</compile_context>

<pallas_src>
import functools

import jax
import jax.numpy as jnp
from jax import lax
from jax.experimental import pallas as pl
from jax.experimental.pallas import tpu as pltpu
from jax.experimental.pallas import tpu_sc as plsc

VOCAB = 100000
HIDDEN = 128
EPS = 1e-06
B, L = 4096, 200
NTOK = B * L


_ROWS_BLK = 5000
_NBLK = VOCAB // _ROWS_BLK
_XROWS = NTOK // HIDDEN
_XBLK = _XROWS // _NBLK


def _table_body(w_ref, p_ref, tok_ref, g_ref, b_ref, x_ref, tt_ref,
                tbl_ref, cidx_ref, scr, sem):
    g = pl.program_id(0)
    par = jax.lax.rem(g, 2)
    R = _ROWS_BLK

    @pl.when(g >= 2)
    def _():
        for t in range(2):
            pltpu.make_async_copy(
                scr.at[par, t],
                tbl_ref.at[pl.ds(t * VOCAB + (g - 2) * R, R)],
                sem.at[par]).wait()

    s = w_ref[...] + p_ref[...]
    gamma = g_ref[...]
    beta = b_ref[...]
    inv_h = 1.0 / HIDDEN
    for t in range(2):
        h = s + tok_ref[t:t + 1, :]
        mu = jnp.sum(h, axis=1, keepdims=True) * inv_h
        ex2 = jnp.sum(h * h, axis=1, keepdims=True) * inv_h
        rinv = jax.lax.rsqrt(ex2 - mu * mu + EPS)
        scr[par, t] = (h - mu) * rinv * gamma + beta
        pltpu.async_copy(scr.at[par, t],
                         tbl_ref.at[pl.ds(t * VOCAB + g * R, R)],
                         sem.at[par])
    cidx_ref[...] = tt_ref[...] * VOCAB + x_ref[...]

    @pl.when(g == _NBLK - 1)
    def _():
        for gg_off in (1, 0):
            p2 = jax.lax.rem(g - gg_off, 2)
            for t in range(2):
                pltpu.make_async_copy(
                    scr.at[p2, t],
                    tbl_ref.at[pl.ds(t * VOCAB + (g - gg_off) * R, R)],
                    sem.at[p2]).wait()


_table_call = pl.pallas_call(
    _table_body,
    grid=(_NBLK,),
    in_specs=[
        pl.BlockSpec((_ROWS_BLK, HIDDEN), lambda g: (g, 0)),
        pl.BlockSpec((_ROWS_BLK, HIDDEN), lambda g: (g, 0)),
        pl.BlockSpec((2, HIDDEN), lambda g: (0, 0)),
        pl.BlockSpec((1, HIDDEN), lambda g: (0, 0)),
        pl.BlockSpec((1, HIDDEN), lambda g: (0, 0)),
        pl.BlockSpec((_XBLK, HIDDEN), lambda g: (g, 0)),
        pl.BlockSpec((_XBLK, HIDDEN), lambda g: (g, 0)),
    ],
    out_specs=[
        pl.BlockSpec(memory_space=pl.ANY),
        pl.BlockSpec((_XBLK, HIDDEN), lambda g: (g, 0)),
    ],
    out_shape=[
        jax.ShapeDtypeStruct((2 * VOCAB, HIDDEN), jnp.float32),
        jax.ShapeDtypeStruct((_XROWS, HIDDEN), jnp.int32),
    ],
    scratch_shapes=[
        pltpu.VMEM((2, 2, _ROWS_BLK, HIDDEN), jnp.float32),
        pltpu.SemaphoreType.DMA((2,)),
    ],
)


_NC, _NS = 2, 16
_NW = _NC * _NS
_TPW = NTOK // _NW
_C = 128
_K = _C // 128
_NCHUNK = _TPW // _C
_NIDX = _TPW // 128
_NB = 4

@functools.cache
def _build_gather_kernel():
    mesh = plsc.VectorSubcoreMesh(
        core_axis_name="c", subcore_axis_name="s",
        num_cores=_NC, num_subcores=_NS)

    @functools.partial(
        pl.kernel,
        out_type=jax.ShapeDtypeStruct((NTOK, HIDDEN), jnp.float32),
        mesh=mesh,
        scratch_types=[
            pltpu.VMEM((_NIDX, 128), jnp.int32),
        ] + [pltpu.VMEM((_C, HIDDEN), jnp.float32) for _ in range(_NB)]
          + [pltpu.SemaphoreType.DMA for _ in range(2 * _NB)],
    )
    def gather_kernel(cidx_hbm, table_hbm, out_hbm, idxall, *bufs_and_sems):
        rows = bufs_and_sems[:_NB]
        gsem = bufs_and_sems[_NB:2 * _NB]
        osem = bufs_and_sems[2 * _NB:3 * _NB]
        wid = lax.axis_index("s") * _NC + lax.axis_index("c")
        base0 = wid * _TPW
        ibase0 = wid * _NIDX

        pltpu.sync_copy(cidx_hbm.at[pl.ds(ibase0, _NIDX)], idxall)

        def fire_gather(g, b):
            pltpu.async_copy(table_hbm.at[idxall.at[g]], rows[b], gsem[b])

        def wait_gather(g, b):
            pltpu.make_async_copy(table_hbm.at[idxall.at[g]], rows[b],
                                  gsem[b]).wait()

        def fire_out(g, b):
            pltpu.async_copy(rows[b], out_hbm.at[pl.ds(base0 + g * _C, _C)],
                             osem[b])

        def wait_out(g, b):
            pltpu.make_async_copy(
                rows[b], out_hbm.at[pl.ds(base0 + g * _C, _C)],
                osem[b]).wait()

        def step(g, b, bf):
            @pl.when(g >= 1)
            def _():
                wait_out(g - 1, bf)

            @pl.when(g + _NB - 1 < _NCHUNK)
            def _():
                fire_gather(g + _NB - 1, bf)

            wait_gather(g, b)
            fire_out(g, b)

        for g0 in range(_NB - 1):
            fire_gather(g0, g0)

        def group(p, carry):
            for r in range(_NB):
                step(p * _NB + r, r, (r - 1) % _NB)
            return carry

        _NFULL = _NCHUNK // _NB
        lax.fori_loop(0, _NFULL, group, 0)
        for g in range(_NFULL * _NB, _NCHUNK):
            step(g, g % _NB, (g - 1) % _NB)
        wait_out(_NCHUNK - 1, (_NCHUNK - 1) % _NB)

    return gather_kernel



def kernel(x, token_type_ids, W_word, W_pos, W_tok, ln_gamma, ln_beta):
    xr = x.reshape(_XROWS, HIDDEN)
    ttr = token_type_ids.reshape(_XROWS, HIDDEN)
    table, cidx = _table_call(
        W_word, W_pos, W_tok,
        ln_gamma.reshape(1, HIDDEN), ln_beta.reshape(1, HIDDEN), xr, ttr)
    out = _build_gather_kernel()(cidx, table)
    return out.reshape(B, L, HIDDEN)

# --- scband reference (transcript-rebuilt; emitter-appended) ---
"""Pipeline reference for scband-embedding-75479755260208 (READ-ONLY COPY).

The authoritative reference and input builder live on the scoring server;
editing this copy changes nothing except your own understanding.
"""

import jax, jax.numpy as jnp
import numpy as np

VOCAB = 100000
HIDDEN = 128
MAX_POS = 100000
TYPE_VOCAB = 2
B, L = 4096, 200
EPS = 1e-06

def setup_inputs(seed: int = 0) -> dict:
    key = jax.random.key(seed)
    k1, k2, k3, k4, k5 = jax.random.split(key, 5)
    x = jax.random.randint(k1, (B, L), 0, VOCAB, dtype=jnp.int64 if jax.config.jax_enable_x64 else jnp.int32).astype(jnp.int32)
    token_type_ids = jax.random.randint(k2, (B, L), 0, TYPE_VOCAB).astype(jnp.int32)
    W_word = jax.random.normal(k3, (VOCAB, HIDDEN), dtype=jnp.float32) * 0.02
    # padding_idx=0 row is initialized to zeros in torch
    W_word = W_word.at[0].set(0.0)
    W_pos = jax.random.normal(k4, (MAX_POS, HIDDEN), dtype=jnp.float32) * 0.02
    W_tok = jax.random.normal(k5, (TYPE_VOCAB, HIDDEN), dtype=jnp.float32) * 0.02
    ln_gamma = jnp.ones((HIDDEN,), dtype=jnp.float32)
    ln_beta = jnp.zeros((HIDDEN,), dtype=jnp.float32)
    return {"x": x, "token_type_ids": token_type_ids, "W_word": W_word, "W_pos": W_pos, "W_tok": W_tok, "ln_gamma": ln_gamma, "ln_beta": ln_beta}

def _layernorm(h, gamma, beta, eps=EPS):
    mu = jnp.mean(h, axis=-1, keepdims=True)
    var = jnp.mean(jnp.square(h - mu), axis=-1, keepdims=True)
    return (h - mu) / jnp.sqrt(var + eps) * gamma + beta

def reference(x, token_type_ids, W_word, W_pos, W_tok, ln_gamma, ln_beta):
    words_embeddings = jnp.take(W_word, x, axis=0)
    # NOTE: original module indexes position table with x as well (faithful translation)
    position_embeddings = jnp.take(W_pos, x, axis=0)
    token_type_embeddings = jnp.take(W_tok, token_type_ids, axis=0)
    embeddings = words_embeddings + position_embeddings + token_type_embeddings
    return _layernorm(embeddings, ln_gamma, ln_beta)

if __name__ == "__main__":
    import jax
    _d = setup_inputs()
    print(jax.jit(kernel)(*tuple(_d.values())))

</pallas_src>

<mosaic_0001>
#map = affine_map<(d0, d1) -> (0, 0)>
module attributes {stable_mosaic.version = 14 : i64} {
  func.func @gather_kernel(%arg0: i32, %arg1: i32, %arg2: memref<6400x128xi32, #tpu.memory_space<hbm>>, %arg3: memref<200000x128xf32, #tpu.memory_space<hbm>>, %arg4: memref<819200x128xf32, #tpu.memory_space<hbm>>, %arg5: memref<200x128xi32, #tpu.memory_space<vmem>>, %arg6: memref<128x128xf32, #tpu.memory_space<vmem>>, %arg7: memref<128x128xf32, #tpu.memory_space<vmem>>, %arg8: memref<128x128xf32, #tpu.memory_space<vmem>>, %arg9: memref<128x128xf32, #tpu.memory_space<vmem>>, %arg10: memref<!tpu.dma_semaphore, #tpu.memory_space<semaphore_mem>>, %arg11: memref<!tpu.dma_semaphore, #tpu.memory_space<semaphore_mem>>, %arg12: memref<!tpu.dma_semaphore, #tpu.memory_space<semaphore_mem>>, %arg13: memref<!tpu.dma_semaphore, #tpu.memory_space<semaphore_mem>>, %arg14: memref<!tpu.dma_semaphore, #tpu.memory_space<semaphore_mem>>, %arg15: memref<!tpu.dma_semaphore, #tpu.memory_space<semaphore_mem>>, %arg16: memref<!tpu.dma_semaphore, #tpu.memory_space<semaphore_mem>>, %arg17: memref<!tpu.dma_semaphore, #tpu.memory_space<semaphore_mem>>) attributes {dimension_semantics = [#tpu.dimension_semantics<core_parallel>, #tpu.dimension_semantics<subcore_parallel>], iteration_bounds = array<i64: 2, 16>, scalar_prefetch = 0 : i64, scratch_operands = 13 : i64, tpu.core_type = #tpu.core_type<sc_vector_subcore>, window_params = [{transform_indices = #map}, {transform_indices = #map}, {transform_indices = #map}]} {
    %mul3A = arith.constant 2 : i32
    %mul3A_0 = arith.muli %arg1, %mul3A : i32
    %add3A = arith.addi %mul3A_0, %arg0 : i32
    %mul3A_1 = arith.constant 25600 : i32
    %mul3A_2 = arith.muli %add3A, %mul3A_1 : i32
    %mul3A_3 = arith.constant 200 : i32
    %mul3A_4 = arith.muli %add3A, %mul3A_3 : i32
    "tpu.region"() ({
      %run_scoped3A = tpu.sem_alloc : memref<!tpu.dma_semaphore, #tpu.memory_space<semaphore_mem>>
      %dma_start3A_35 = arith.constant 0 : i32
      %dma_start3A_36 = tpu.memref_slice %arg2[%mul3A_4, %dma_start3A_35] : memref<6400x128xi32, #tpu.memory_space<hbm>> -> memref<200x128xi32, #tpu.memory_space<hbm>>
      %dma_start3A_37 = arith.constant 0 : i32
      %dma_start3A_38 = tpu.memref_slice %arg2[%mul3A_4, %dma_start3A_37] : memref<6400x128xi32, #tpu.memory_space<hbm>> -> memref<200x128xi32, #tpu.memory_space<hbm>>
      tpu.enqueue_dma source(%dma_start3A_38 : memref<200x128xi32, #tpu.memory_space<hbm>>) target(%arg5 : memref<200x128xi32, #tpu.memory_space<vmem>>) target_semaphore(%run_scoped3A : memref<!tpu.dma_semaphore, #tpu.memory_space<semaphore_mem>>)
      %dma_wait3A_39 = arith.constant 0 : i32
      %dma_wait3A_40 = tpu.memref_slice %arg2[%mul3A_4, %dma_wait3A_39] : memref<6400x128xi32, #tpu.memory_space<hbm>> -> memref<200x128xi32, #tpu.memory_space<hbm>>
      %dma_wait3A_41 = arith.constant 0 : i32
      %dma_wait3A_42 = tpu.memref_slice %arg2[%mul3A_4, %dma_wait3A_41] : memref<6400x128xi32, #tpu.memory_space<hbm>> -> memref<200x128xi32, #tpu.memory_space<hbm>>
      tpu.wait_dma2 semaphore(%run_scoped3A : memref<!tpu.dma_semaphore, #tpu.memory_space<semaphore_mem>>) src(%dma_wait3A_42 : memref<200x128xi32, #tpu.memory_space<hbm>>) dst(%arg5 : memref<200x128xi32, #tpu.memory_space<vmem>>)
      tpu.yield
    }) : () -> ()
    %dma_start3A = arith.constant 0 : i32
    %dma_start3A_5 = arith.constant 0 : i32
    %dma_start3A_6 = tpu.memref_slice %arg5[%dma_start3A, %dma_start3A_5] : memref<200x128xi32, #tpu.memory_space<vmem>> -> memref<1x128xi32, #tpu.memory_space<vmem>>
    %dma_start3A_7 = tpu.memref_squeeze %dma_start3A_6 : memref<1x128xi32, #tpu.memory_space<vmem>> -> memref<128xi32, #tpu.memory_space<vmem>>
    %dma_start3A_8 = arith.constant 0 : i32
    %dma_start3A_9 = arith.constant 0 : i32
    %dma_start3A_10 = tpu.memref_slice %arg3[%dma_start3A_8, %dma_start3A_9] : memref<200000x128xf32, #tpu.memory_space<hbm>> -> memref<200000x128xf32, #tpu.memory_space<hbm>>
    tpu.enqueue_indirect_dma source(%dma_start3A_10 : memref<200000x128xf32, #tpu.memory_space<hbm>>) target(%arg6 : memref<128x128xf32, #tpu.memory_space<vmem>>) offsets(%dma_start3A_7 : memref<128xi32, #tpu.memory_space<vmem>>) semaphore(%arg10 : memref<!tpu.dma_semaphore, #tpu.memory_space<semaphore_mem>>)
    %dma_start3A_11 = arith.constant 1 : i32
    %dma_start3A_12 = arith.constant 0 : i32
    %dma_start3A_13 = tpu.memref_slice %arg5[%dma_start3A_11, %dma_start3A_12] : memref<200x128xi32, #tpu.memory_space<vmem>> -> memref<1x128xi32, #tpu.memory_space<vmem>>
    %dma_start3A_14 = tpu.memref_squeeze %dma_start3A_13 : memref<1x128xi32, #tpu.memory_space<vmem>> -> memref<128xi32, #tpu.memory_space<vmem>>
    %dma_start3A_15 = arith.constant 0 : i32
    %dma_start3A_16 = arith.constant 0 : i32
    %dma_start3A_17 = tpu.memref_slice %arg3[%dma_start3A_15, %dma_start3A_16] : memref<200000x128xf32, #tpu.memory_space<hbm>> -> memref<200000x128xf32, #tpu.memory_space<hbm>>
    tpu.enqueue_indirect_dma source(%dma_start3A_17 : memref<200000x128xf32, #tpu.memory_space<hbm>>) target(%arg7 : memref<128x128xf32, #tpu.memory_space<vmem>>) offsets(%dma_start3A_14 : memref<128xi32, #tpu.memory_space<vmem>>) semaphore(%arg11 : memref<!tpu.dma_semaphore, #tpu.memory_space<semaphore_mem>>)
    %dma_start3A_18 = arith.constant 2 : i32
    %dma_start3A_19 = arith.constant 0 : i32
    %dma_start3A_20 = tpu.memref_slice %arg5[%dma_start3A_18, %dma_start3A_19] : memref<200x128xi32, #tpu.memory_space<vmem>> -> memref<1x128xi32, #tpu.memory_space<vmem>>
    %dma_start3A_21 = tpu.memref_squeeze %dma_start3A_20 : memref<1x128xi32, #tpu.memory_space<vmem>> -> memref<128xi32, #tpu.memory_space<vmem>>
    %dma_start3A_22 = arith.constant 0 : i32
    %dma_start3A_23 = arith.constant 0 : i32
    %dma_start3A_24 = tpu.memref_slice %arg3[%dma_start3A_22, %dma_start3A_23] : memref<200000x128xf32, #tpu.memory_space<hbm>> -> memref<200000x128xf32, #tpu.memory_space<hbm>>
    tpu.enqueue_indirect_dma source(%dma_start3A_24 : memref<200000x128xf32, #tpu.memory_space<hbm>>) target(%arg8 : memref<128x128xf32, #tpu.memory_space<vmem>>) offsets(%dma_start3A_21 : memref<128xi32, #tpu.memory_space<vmem>>) semaphore(%arg12 : memref<!tpu.dma_semaphore, #tpu.memory_space<semaphore_mem>>)
    %scan3A = arith.constant 0 : i32
    %scan3A_25 = arith.constant 0 : i32
    %scan3A_26 = arith.constant 50 : i32
    %scan3A_27 = arith.addi %scan3A_25, %scan3A_26 : i32
    %scan3A_28 = arith.constant 1 : i32
    scf.for %scan3A_35 = %scan3A_25 to %scan3A_27 step %scan3A_28  : i32 {
      %mul3A_36 = arith.constant 4 : i32
      %mul3A_37 = arith.muli %scan3A_35, %mul3A_36 : i32
      %add3A_38 = arith.constant 0 : i32
      %add3A_39 = arith.addi %mul3A_37, %add3A_38 : i32
      %ge3A = arith.constant 1 : i32
      %ge3A_40 = arith.cmpi sge, %add3A_39, %ge3A : i32
      %convert_element_type3A = arith.extui %ge3A_40 : i1 to i32
      %cond3A = arith.constant 0 : i32
      %cond3A_41 = arith.cmpi ne, %convert_element_type3A, %cond3A : i32
      scf.if %cond3A_41 {
        %sub3A_155 = arith.constant 1 : i32
        %sub3A_156 = arith.subi %add3A_39, %sub3A_155 : i32
        %mul3A_157 = arith.constant 128 : i32
        %mul3A_158 = arith.muli %sub3A_156, %mul3A_157 : i32
        %add3A_159 = arith.addi %mul3A_2, %mul3A_158 : i32
        %dma_wait3A_160 = arith.constant 0 : i32
        %dma_wait3A_161 = tpu.memref_slice %arg4[%add3A_159, %dma_wait3A_160] : memref<819200x128xf32, #tpu.memory_space<hbm>> -> memref<128x128xf32, #tpu.memory_space<hbm>>
        %dma_wait3A_162 = arith.constant 0 : i32
        %dma_wait3A_163 = tpu.memref_slice %arg4[%add3A_159, %dma_wait3A_162] : memref<819200x128xf32, #tpu.memory_space<hbm>> -> memref<128x128xf32, #tpu.memory_space<hbm>>
        tpu.wait_dma2 semaphore(%arg17 : memref<!tpu.dma_semaphore, #tpu.memory_space<semaphore_mem>>) src(%arg9 : memref<128x128xf32, #tpu.memory_space<vmem>>) dst(%dma_wait3A_163 : memref<128x128xf32, #tpu.memory_space<hbm>>)
      } else {
      }
      %add3A_42 = arith.constant 4 : i32
      %add3A_43 = arith.addi %add3A_39, %add3A_42 : i32
      %sub3A = arith.constant 1 : i32
      %sub3A_44 = arith.subi %add3A_43, %sub3A : i32
      %lt3A = arith.constant 200 : i32
      %lt3A_45 = arith.cmpi slt, %sub3A_44, %lt3A : i32
      %convert_element_type3A_46 = arith.extui %lt3A_45 : i1 to i32
      %cond3A_47 = arith.constant 0 : i32
      %cond3A_48 = arith.cmpi ne, %convert_element_type3A_46, %cond3A_47 : i32
      scf.if %cond3A_48 {
        %add3A_155 = arith.constant 4 : i32
        %add3A_156 = arith.addi %add3A_39, %add3A_155 : i32
        %sub3A_157 = arith.constant 1 : i32
        %sub3A_158 = arith.subi %add3A_156, %sub3A_157 : i32
        %dma_start3A_159 = arith.constant 0 : i32
        %dma_start3A_160 = tpu.memref_slice %arg5[%sub3A_158, %dma_start3A_159] : memref<200x128xi32, #tpu.memory_space<vmem>> -> memref<1x128xi32, #tpu.memory_space<vmem>>
        %dma_start3A_161 = tpu.memref_squeeze %dma_start3A_160 : memref<1x128xi32, #tpu.memory_space<vmem>> -> memref<128xi32, #tpu.memory_space<vmem>>
        %dma_start3A_162 = arith.constant 0 : i32
        %dma_start3A_163 = arith.constant 0 : i32
        %dma_start3A_164 = tpu.memref_slice %arg3[%dma_start3A_162, %dma_start3A_163] : memref<200000x128xf32, #tpu.memory_space<hbm>> -> memref<200000x128xf32, #tpu.memory_space<hbm>>
        tpu.enqueue_indirect_dma source(%dma_start3A_164 : memref<200000x128xf32, #tpu.memory_space<hbm>>) target(%arg9 : memref<128x128xf32, #tpu.memory_space<vmem>>) offsets(%dma_start3A_161 : memref<128xi32, #tpu.memory_space<vmem>>) semaphore(%arg13 : memref<!tpu.dma_semaphore, #tpu.memory_space<semaphore_mem>>)
      } else {
      }
      %dma_wait3A_49 = arith.constant 0 : i32
      %dma_wait3A_50 = tpu.memref_slice %arg5[%add3A_39, %dma_wait3A_49] : memref<200x128xi32, #tpu.memory_space<vmem>> -> memref<1x128xi32, #tpu.memory_space<vmem>>
      %dma_wait3A_51 = tpu.memref_squeeze %dma_wait3A_50 : memref<1x128xi32, #tpu.memory_space<vmem>> -> memref<128xi32, #tpu.memory_space<vmem>>
      %dma_wait3A_52 = arith.constant 0 : i32
      %dma_wait3A_53 = arith.constant 0 : i32
      %dma_wait3A_54 = tpu.memref_slice %arg3[%dma_wait3A_52, %dma_wait3A_53] : memref<200000x128xf32, #tpu.memory_space<hbm>> -> memref<200000x128xf32, #tpu.memory_space<hbm>>
      tpu.wait_indirect_dma semaphore(%arg10 : memref<!tpu.dma_semaphore, #tpu.memory_space<semaphore_mem>>) src(%dma_wait3A_54 : memref<200000x128xf32, #tpu.memory_space<hbm>>) dst(%arg6 : memref<128x128xf32, #tpu.memory_space<vmem>>)
      %mul3A_55 = arith.constant 128 : i32
      %mul3A_56 = arith.muli %add3A_39, %mul3A_55 : i32
      %add3A_57 = arith.addi %mul3A_2, %mul3A_56 : i32
      %dma_start3A_58 = arith.constant 0 : i32
      %dma_start3A_59 = tpu.memref_slice %arg4[%add3A_57, %dma_start3A_58] : memref<819200x128xf32, #tpu.memory_space<hbm>> -> memref<128x128xf32, #tpu.memory_space<hbm>>
      %dma_start3A_60 = arith.constant 0 : i32
      %dma_start3A_61 = tpu.memref_slice %arg4[%add3A_57, %dma_start3A_60] : memref<819200x128xf32, #tpu.memory_space<hbm>> -> memref<128x128xf32, #tpu.memory_space<hbm>>
      tpu.enqueue_dma source(%arg6 : memref<128x128xf32, #tpu.memory_space<vmem>>) target(%dma_start3A_61 : memref<128x128xf32, #tpu.memory_space<hbm>>) target_semaphore(%arg14 : memref<!tpu.dma_semaphore, #tpu.memory_space<semaphore_mem>>)
      %mul3A_62 = arith.constant 4 : i32
      %mul3A_63 = arith.muli %scan3A_35, %mul3A_62 : i32
      %add3A_64 = arith.constant 1 : i32
      %add3A_65 = arith.addi %mul3A_63, %add3A_64 : i32
      %ge3A_66 = arith.constant 1 : i32
      %ge3A_67 = arith.cmpi sge, %add3A_65, %ge3A_66 : i32
      %convert_element_type3A_68 = arith.extui %ge3A_67 : i1 to i32
      %cond3A_69 = arith.constant 0 : i32
      %cond3A_70 = arith.cmpi ne, %convert_element_type3A_68, %cond3A_69 : i32
      scf.if %cond3A_70 {
        %sub3A_155 = arith.constant 1 : i32
        %sub3A_156 = arith.subi %add3A_65, %sub3A_155 : i32
        %mul3A_157 = arith.constant 128 : i32
        %mul3A_158 = arith.muli %sub3A_156, %mul3A_157 : i32
        %add3A_159 = arith.addi %mul3A_2, %mul3A_158 : i32
        %dma_wait3A_160 = arith.constant 0 : i32
        %dma_wait3A_161 = tpu.memref_slice %arg4[%add3A_159, %dma_wait3A_160] : memref<819200x128xf32, #tpu.memory_space<hbm>> -> memref<128x128xf32, #tpu.memory_space<hbm>>
        %dma_wait3A_162 = arith.constant 0 : i32
        %dma_wait3A_163 = tpu.memref_slice %arg4[%add3A_159, %dma_wait3A_162] : memref<819200x128xf32, #tpu.memory_space<hbm>> -> memref<128x128xf32, #tpu.memory_space<hbm>>
        tpu.wait_dma2 semaphore(%arg14 : memref<!tpu.dma_semaphore, #tpu.memory_space<semaphore_mem>>) src(%arg6 : memref<128x128xf32, #tpu.memory_space<vmem>>) dst(%dma_wait3A_163 : memref<128x128xf32, #tpu.memory_space<hbm>>)
      } else {
      }
      %add3A_71 = arith.constant 4 : i32
      %add3A_72 = arith.addi %add3A_65, %add3A_71 : i32
      %sub3A_73 = arith.constant 1 : i32
      %sub3A_74 = arith.subi %add3A_72, %sub3A_73 : i32
      %lt3A_75 = arith.constant 200 : i32
      %lt3A_76 = arith.cmpi slt, %sub3A_74, %lt3A_75 : i32
      %convert_element_type3A_77 = arith.extui %lt3A_76 : i1 to i32
      %cond3A_78 = arith.constant 0 : i32
      %cond3A_79 = arith.cmpi ne, %convert_element_type3A_77, %cond3A_78 : i32
      scf.if %cond3A_79 {
        %add3A_155 = arith.constant 4 : i32
        %add3A_156 = arith.addi %add3A_65, %add3A_155 : i32
        %sub3A_157 = arith.constant 1 : i32
        %sub3A_158 = arith.subi %add3A_156, %sub3A_157 : i32
        %dma_start3A_159 = arith.constant 0 : i32
        %dma_start3A_160 = tpu.memref_slice %arg5[%sub3A_158, %dma_start3A_159] : memref<200x128xi32, #tpu.memory_space<vmem>> -> memref<1x128xi32, #tpu.memory_space<vmem>>
        %dma_start3A_161 = tpu.memref_squeeze %dma_start3A_160 : memref<1x128xi32, #tpu.memory_space<vmem>> -> memref<128xi32, #tpu.memory_space<vmem>>
        %dma_start3A_162 = arith.constant 0 : i32
        %dma_start3A_163 = arith.constant 0 : i32
        %dma_start3A_164 = tpu.memref_slice %arg3[%dma_start3A_162, %dma_start3A_163] : memref<200000x128xf32, #tpu.memory_space<hbm>> -> memref<200000x128xf32, #tpu.memory_space<hbm>>
        tpu.enqueue_indirect_dma source(%dma_start3A_164 : memref<200000x128xf32, #tpu.memory_space<hbm>>) target(%arg6 : memref<128x128xf32, #tpu.memory_space<vmem>>) offsets(%dma_start3A_161 : memref<128xi32, #tpu.memory_space<vmem>>) semaphore(%arg10 : memref<!tpu.dma_semaphore, #tpu.memory_space<semaphore_mem>>)
      } else {
      }
      %dma_wait3A_80 = arith.constant 0 : i32
      %dma_wait3A_81 = tpu.memref_slice %arg5[%add3A_65, %dma_wait3A_80] : memref<200x128xi32, #tpu.memory_space<vmem>> -> memref<1x128xi32, #tpu.memory_space<vmem>>
      %dma_wait3A_82 = tpu.memref_squeeze %dma_wait3A_81 : memref<1x128xi32, #tpu.memory_space<vmem>> -> memref<128xi32, #tpu.memory_space<vmem>>
      %dma_wait3A_83 = arith.constant 0 : i32
      %dma_wait3A_84 = arith.constant 0 : i32
      %dma_wait3A_85 = tpu.memref_slice %arg3[%dma_wait3A_83, %dma_wait3A_84] : memref<200000x128xf32, #tpu.memory_space<hbm>> -> memref<200000x128xf32, #tpu.memory_space<hbm>>
      tpu.wait_indirect_dma semaphore(%arg11 : memref<!tpu.dma_semaphore, #tpu.memory_space<semaphore_mem>>) src(%dma_wait3A_85 : memref<200000x128xf32, #tpu.memory_space<hbm>>) dst(%arg7 : memref<128x128xf32, #tpu.memory_space<vmem>>)
      %mul3A_86 = arith.constant 128 : i32
      %mul3A_87 = arith.muli %add3A_65, %mul3A_86 : i32
      %add3A_88 = arith.addi %mul3A_2, %mul3A_87 : i32
      %dma_start3A_89 = arith.constant 0 : i32
      %dma_start3A_90 = tpu.memref_slice %arg4[%add3A_88, %dma_start3A_89] : memref<819200x128xf32, #tpu.memory_space<hbm>> -> memref<128x128xf32, #tpu.memory_space<hbm>>
      %dma_start3A_91 = arith.constant 0 : i32
      %dma_start3A_92 = tpu.memref_slice %arg4[%add3A_88, %dma_start3A_91] : memref<819200x128xf32, #tpu.memory_space<hbm>> -> memref<128x128xf32, #tpu.memory_space<hbm>>
      tpu.enqueue_dma source(%arg7 : memref<128x128xf32, #tpu.memory_space<vmem>>) target(%dma_start3A_92 : memref<128x128xf32, #tpu.memory_space<hbm>>) target_semaphore(%arg15 : memref<!tpu.dma_semaphore, #tpu.memory_space<semaphore_mem>>)
      %mul3A_93 = arith.constant 4 : i32
      %mul3A_94 = arith.muli %scan3A_35, %mul3A_93 : i32
      %add3A_95 = arith.constant 2 : i32
      %add3A_96 = arith.addi %mul3A_94, %add3A_95 : i32
      %ge3A_97 = arith.constant 1 : i32
      %ge3A_98 = arith.cmpi sge, %add3A_96, %ge3A_97 : i32
      %convert_element_type3A_99 = arith.extui %ge3A_98 : i1 to i32
      %cond3A_100 = arith.constant 0 : i32
      %cond3A_101 = arith.cmpi ne, %convert_element_type3A_99, %cond3A_100 : i32
      scf.if %cond3A_101 {
        %sub3A_155 = arith.constant 1 : i32
        %sub3A_156 = arith.subi %add3A_96, %sub3A_155 : i32
        %mul3A_157 = arith.constant 128 : i32
        %mul3A_158 = arith.muli %sub3A_156, %mul3A_157 : i32
        %add3A_159 = arith.addi %mul3A_2, %mul3A_158 : i32
        %dma_wait3A_160 = arith.constant 0 : i32
        %dma_wait3A_161 = tpu.memref_slice %arg4[%add3A_159, %dma_wait3A_160] : memref<819200x128xf32, #tpu.memory_space<hbm>> -> memref<128x128xf32, #tpu.memory_space<hbm>>
        %dma_wait3A_162 = arith.constant 0 : i32
        %dma_wait3A_163 = tpu.memref_slice %arg4[%add3A_159, %dma_wait3A_162] : memref<819200x128xf32, #tpu.memory_space<hbm>> -> memref<128x128xf32, #tpu.memory_space<hbm>>
        tpu.wait_dma2 semaphore(%arg15 : memref<!tpu.dma_semaphore, #tpu.memory_space<semaphore_mem>>) src(%arg7 : memref<128x128xf32, #tpu.memory_space<vmem>>) dst(%dma_wait3A_163 : memref<128x128xf32, #tpu.memory_space<hbm>>)
      } else {
      }
      %add3A_102 = arith.constant 4 : i32
      %add3A_103 = arith.addi %add3A_96, %add3A_102 : i32
      %sub3A_104 = arith.constant 1 : i32
      %sub3A_105 = arith.subi %add3A_103, %sub3A_104 : i32
      %lt3A_106 = arith.constant 200 : i32
      %lt3A_107 = arith.cmpi slt, %sub3A_105, %lt3A_106 : i32
      %convert_element_type3A_108 = arith.extui %lt3A_107 : i1 to i32
      %cond3A_109 = arith.constant 0 : i32
      %cond3A_110 = arith.cmpi ne, %convert_element_type3A_108, %cond3A_109 : i32
      scf.if %cond3A_110 {
        %add3A_155 = arith.constant 4 : i32
        %add3A_156 = arith.addi %add3A_96, %add3A_155 : i32
        %sub3A_157 = arith.constant 1 : i32
        %sub3A_158 = arith.subi %add3A_156, %sub3A_157 : i32
        %dma_start3A_159 = arith.constant 0 : i32
        %dma_start3A_160 = tpu.memref_slice %arg5[%sub3A_158, %dma_start3A_159] : memref<200x128xi32, #tpu.memory_space<vmem>> -> memref<1x128xi32, #tpu.memory_space<vmem>>
        %dma_start3A_161 = tpu.memref_squeeze %dma_start3A_160 : memref<1x128xi32, #tpu.memory_space<vmem>> -> memref<128xi32, #tpu.memory_space<vmem>>
        %dma_start3A_162 = arith.constant 0 : i32
        %dma_start3A_163 = arith.constant 0 : i32
        %dma_start3A_164 = tpu.memref_slice %arg3[%dma_start3A_162, %dma_start3A_163] : memref<200000x128xf32, #tpu.memory_space<hbm>> -> memref<200000x128xf32, #tpu.memory_space<hbm>>
        tpu.enqueue_indirect_dma source(%dma_start3A_164 : memref<200000x128xf32, #tpu.memory_space<hbm>>) target(%arg7 : memref<128x128xf32, #tpu.memory_space<vmem>>) offsets(%dma_start3A_161 : memref<128xi32, #tpu.memory_space<vmem>>) semaphore(%arg11 : memref<!tpu.dma_semaphore, #tpu.memory_space<semaphore_mem>>)
      } else {
      }
      %dma_wait3A_111 = arith.constant 0 : i32
      %dma_wait3A_112 = tpu.memref_slice %arg5[%add3A_96, %dma_wait3A_111] : memref<200x128xi32, #tpu.memory_space<vmem>> -> memref<1x128xi32, #tpu.memory_space<vmem>>
      %dma_wait3A_113 = tpu.memref_squeeze %dma_wait3A_112 : memref<1x128xi32, #tpu.memory_space<vmem>> -> memref<128xi32, #tpu.memory_space<vmem>>
      %dma_wait3A_114 = arith.constant 0 : i32
      %dma_wait3A_115 = arith.constant 0 : i32
      %dma_wait3A_116 = tpu.memref_slice %arg3[%dma_wait3A_114, %dma_wait3A_115] : memref<200000x128xf32, #tpu.memory_space<hbm>> -> memref<200000x128xf32, #tpu.memory_space<hbm>>
      tpu.wait_indirect_dma semaphore(%arg12 : memref<!tpu.dma_semaphore, #tpu.memory_space<semaphore_mem>>) src(%dma_wait3A_116 : memref<200000x128xf32, #tpu.memory_space<hbm>>) dst(%arg8 : memref<128x128xf32, #tpu.memory_space<vmem>>)
      %mul3A_117 = arith.constant 128 : i32
      %mul3A_118 = arith.muli %add3A_96, %mul3A_117 : i32
      %add3A_119 = arith.addi %mul3A_2, %mul3A_118 : i32
      %dma_start3A_120 = arith.constant 0 : i32
      %dma_start3A_121 = tpu.memref_slice %arg4[%add3A_119, %dma_start3A_120] : memref<819200x128xf32, #tpu.memory_space<hbm>> -> memref<128x128xf32, #tpu.memory_space<hbm>>
      %dma_start3A_122 = arith.constant 0 : i32
      %dma_start3A_123 = tpu.memref_slice %arg4[%add3A_119, %dma_start3A_122] : memref<819200x128xf32, #tpu.memory_space<hbm>> -> memref<128x128xf32, #tpu.memory_space<hbm>>
      tpu.enqueue_dma source(%arg8 : memref<128x128xf32, #tpu.memory_space<vmem>>) target(%dma_start3A_123 : memref<128x128xf32, #tpu.memory_space<hbm>>) target_semaphore(%arg16 : memref<!tpu.dma_semaphore, #tpu.memory_space<semaphore_mem>>)
      %mul3A_124 = arith.constant 4 : i32
      %mul3A_125 = arith.muli %scan3A_35, %mul3A_124 : i32
      %add3A_126 = arith.constant 3 : i32
      %add3A_127 = arith.addi %mul3A_125, %add3A_126 : i32
      %ge3A_128 = arith.constant 1 : i32
      %ge3A_129 = arith.cmpi sge, %add3A_127, %ge3A_128 : i32
      %convert_element_type3A_130 = arith.extui %ge3A_129 : i1 to i32
      %cond3A_131 = arith.constant 0 : i32
      %cond3A_132 = arith.cmpi ne, %convert_element_type3A_130, %cond3A_131 : i32
      scf.if %cond3A_132 {
        %sub3A_155 = arith.constant 1 : i32
        %sub3A_156 = arith.subi %add3A_127, %sub3A_155 : i32
        %mul3A_157 = arith.constant 128 : i32
        %mul3A_158 = arith.muli %sub3A_156, %mul3A_157 : i32
        %add3A_159 = arith.addi %mul3A_2, %mul3A_158 : i32
        %dma_wait3A_160 = arith.constant 0 : i32
        %dma_wait3A_161 = tpu.memref_slice %arg4[%add3A_159, %dma_wait3A_160] : memref<819200x128xf32, #tpu.memory_space<hbm>> -> memref<128x128xf32, #tpu.memory_space<hbm>>
        %dma_wait3A_162 = arith.constant 0 : i32
        %dma_wait3A_163 = tpu.memref_slice %arg4[%add3A_159, %dma_wait3A_162] : memref<819200x128xf32, #tpu.memory_space<hbm>> -> memref<128x128xf32, #tpu.memory_space<hbm>>
        tpu.wait_dma2 semaphore(%arg16 : memref<!tpu.dma_semaphore, #tpu.memory_space<semaphore_mem>>) src(%arg8 : memref<128x128xf32, #tpu.memory_space<vmem>>) dst(%dma_wait3A_163 : memref<128x128xf32, #tpu.memory_space<hbm>>)
      } else {
      }
      %add3A_133 = arith.constant 4 : i32
      %add3A_134 = arith.addi %add3A_127, %add3A_133 : i32
      %sub3A_135 = arith.constant 1 : i32
      %sub3A_136 = arith.subi %add3A_134, %sub3A_135 : i32
      %lt3A_137 = arith.constant 200 : i32
      %lt3A_138 = arith.cmpi slt, %sub3A_136, %lt3A_137 : i32
      %convert_element_type3A_139 = arith.extui %lt3A_138 : i1 to i32
      %cond3A_140 = arith.constant 0 : i32
      %cond3A_141 = arith.cmpi ne, %convert_element_type3A_139, %cond3A_140 : i32
      scf.if %cond3A_141 {
        %add3A_155 = arith.constant 4 : i32
        %add3A_156 = arith.addi %add3A_127, %add3A_155 : i32
        %sub3A_157 = arith.constant 1 : i32
        %sub3A_158 = arith.subi %add3A_156, %sub3A_157 : i32
        %dma_start3A_159 = arith.constant 0 : i32
        %dma_start3A_160 = tpu.memref_slice %arg5[%sub3A_158, %dma_start3A_159] : memref<200x128xi32, #tpu.memory_space<vmem>> -> memref<1x128xi32, #tpu.memory_space<vmem>>
        %dma_start3A_161 = tpu.memref_squeeze %dma_start3A_160 : memref<1x128xi32, #tpu.memory_space<vmem>> -> memref<128xi32, #tpu.memory_space<vmem>>
        %dma_start3A_162 = arith.constant 0 : i32
        %dma_start3A_163 = arith.constant 0 : i32
        %dma_start3A_164 = tpu.memref_slice %arg3[%dma_start3A_162, %dma_start3A_163] : memref<200000x128xf32, #tpu.memory_space<hbm>> -> memref<200000x128xf32, #tpu.memory_space<hbm>>
        tpu.enqueue_indirect_dma source(%dma_start3A_164 : memref<200000x128xf32, #tpu.memory_space<hbm>>) target(%arg8 : memref<128x128xf32, #tpu.memory_space<vmem>>) offsets(%dma_start3A_161 : memref<128xi32, #tpu.memory_space<vmem>>) semaphore(%arg12 : memref<!tpu.dma_semaphore, #tpu.memory_space<semaphore_mem>>)
      } else {
      }
      %dma_wait3A_142 = arith.constant 0 : i32
      %dma_wait3A_143 = tpu.memref_slice %arg5[%add3A_127, %dma_wait3A_142] : memref<200x128xi32, #tpu.memory_space<vmem>> -> memref<1x128xi32, #tpu.memory_space<vmem>>
      %dma_wait3A_144 = tpu.memref_squeeze %dma_wait3A_143 : memref<1x128xi32, #tpu.memory_space<vmem>> -> memref<128xi32, #tpu.memory_space<vmem>>
      %dma_wait3A_145 = arith.constant 0 : i32
      %dma_wait3A_146 = arith.constant 0 : i32
      %dma_wait3A_147 = tpu.memref_slice %arg3[%dma_wait3A_145, %dma_wait3A_146] : memref<200000x128xf32, #tpu.memory_space<hbm>> -> memref<200000x128xf32, #tpu.memory_space<hbm>>
      tpu.wait_indirect_dma semaphore(%arg13 : memref<!tpu.dma_semaphore, #tpu.memory_space<semaphore_mem>>) src(%dma_wait3A_147 : memref<200000x128xf32, #tpu.memory_space<hbm>>) dst(%arg9 : memref<128x128xf32, #tpu.memory_space<vmem>>)
      %mul3A_148 = arith.constant 128 : i32
      %mul3A_149 = arith.muli %add3A_127, %mul3A_148 : i32
      %add3A_150 = arith.addi %mul3A_2, %mul3A_149 : i32
      %dma_start3A_151 = arith.constant 0 : i32
      %dma_start3A_152 = tpu.memref_slice %arg4[%add3A_150, %dma_start3A_151] : memref<819200x128xf32, #tpu.memory_space<hbm>> -> memref<128x128xf32, #tpu.memory_space<hbm>>
      %dma_start3A_153 = arith.constant 0 : i32
      %dma_start3A_154 = tpu.memref_slice %arg4[%add3A_150, %dma_start3A_153] : memref<819200x128xf32, #tpu.memory_space<hbm>> -> memref<128x128xf32, #tpu.memory_space<hbm>>
      tpu.enqueue_dma source(%arg9 : memref<128x128xf32, #tpu.memory_space<vmem>>) target(%dma_start3A_154 : memref<128x128xf32, #tpu.memory_space<hbm>>) target_semaphore(%arg17 : memref<!tpu.dma_semaphore, #tpu.memory_space<semaphore_mem>>)
    }
    %scan3A_29 = arith.constant 50 : i32
    %add3A_30 = arith.constant 25472 : i32
    %add3A_31 = arith.addi %mul3A_2, %add3A_30 : i32
    %dma_wait3A = arith.constant 0 : i32
    %dma_wait3A_32 = tpu.memref_slice %arg4[%add3A_31, %dma_wait3A] : memref<819200x128xf32, #tpu.memory_space<hbm>> -> memref<128x128xf32, #tpu.memory_space<hbm>>
    %dma_wait3A_33 = arith.constant 0 : i32
    %dma_wait3A_34 = tpu.memref_slice %arg4[%add3A_31, %dma_wait3A_33] : memref<819200x128xf32, #tpu.memory_space<hbm>> -> memref<128x128xf32, #tpu.memory_space<hbm>>
    tpu.wait_dma2 semaphore(%arg17 : memref<!tpu.dma_semaphore, #tpu.memory_space<semaphore_mem>>) src(%arg9 : memref<128x128xf32, #tpu.memory_space<vmem>>) dst(%dma_wait3A_34 : memref<128x128xf32, #tpu.memory_space<hbm>>)
    return
  }
}

module attributes {stable_mosaic.version = 14 : i64} {
  func.func @_table_body(%arg0: i32, %arg1: memref<5000x128xf32, #tpu.memory_space<vmem>>, %arg2: memref<5000x128xf32, #tpu.memory_space<vmem>>, %arg3: memref<2x128xf32, #tpu.memory_space<vmem>>, %arg4: memref<1x128xf32, #tpu.memory_space<vmem>>, %arg5: memref<1x128xf32, #tpu.memory_space<vmem>>, %arg6: memref<320x128xi32, #tpu.memory_space<vmem>>, %arg7: memref<320x128xi32, #tpu.memory_space<vmem>>, %arg8: memref<200000x128xf32, #tpu.memory_space<any>>, %arg9: memref<320x128xi32, #tpu.memory_space<vmem>>, %arg10: memref<2x2x5000x128xf32, #tpu.memory_space<vmem>>, %arg11: memref<2x!tpu.dma_semaphore, #tpu.memory_space<semaphore_mem>>) attributes {dimension_semantics = [#tpu.dimension_semantics<arbitrary>], iteration_bounds = array<i64: 20>, scalar_prefetch = 0 : i64, scratch_operands = 2 : i64, tpu.core_type = #tpu.core_type<tc>, window_params = [{transform_indices = @transform_0, window_bounds = array<i64: 5000, 128>}, {transform_indices = @transform_1, window_bounds = array<i64: 5000, 128>}, {pipeline_mode = #tpu.pipeline_mode<synchronous>, transform_indices = @transform_2, window_bounds = array<i64: 2, 128>}, {pipeline_mode = #tpu.pipeline_mode<synchronous>, transform_indices = @transform_3, window_bounds = array<i64: 1, 128>}, {pipeline_mode = #tpu.pipeline_mode<synchronous>, transform_indices = @transform_4, window_bounds = array<i64: 1, 128>}, {transform_indices = @transform_5, window_bounds = array<i64: 320, 128>}, {transform_indices = @transform_6, window_bounds = array<i64: 320, 128>}, {}, {transform_indices = @transform_8, window_bounds = array<i64: 320, 128>}]} {
    %rem3A = arith.constant 2 : i32
    %rem3A_0 = arith.remsi %arg0, %rem3A : i32
    %ge3A = arith.constant 2 : i32
    %ge3A_1 = arith.cmpi sge, %arg0, %ge3A : i32
    %convert_element_type3A = arith.extui %ge3A_1 : i1 to i32
    %cond3A = arith.constant 0 : i32
    %cond3A_2 = arith.cmpi ne, %convert_element_type3A, %cond3A : i32
    scf.if %cond3A_2 {
      %sub3A_128 = arith.constant 2 : i32
      %sub3A_129 = arith.subi %arg0, %sub3A_128 : i32
      %mul3A_130 = arith.constant 5000 : i32
      %mul3A_131 = arith.muli %sub3A_129, %mul3A_130 : i32
      %add3A_132 = arith.constant 0 : i32
      %add3A_133 = arith.addi %add3A_132, %mul3A_131 : i32
      %dma_wait3A = arith.constant 0 : i32
      %dma_wait3A_134 = tpu.memref_slice %arg11[%rem3A_0] : memref<2x!tpu.dma_semaphore, #tpu.memory_space<semaphore_mem>> -> memref<1x!tpu.dma_semaphore, #tpu.memory_space<semaphore_mem>>
      %dma_wait3A_135 = tpu.memref_squeeze %dma_wait3A_134 : memref<1x!tpu.dma_semaphore, #tpu.memory_space<semaphore_mem>> -> memref<!tpu.dma_semaphore, #tpu.memory_space<semaphore_mem>>
      %dma_wait3A_136 = arith.constant 0 : i32
      %dma_wait3A_137 = tpu.memref_slice %arg8[%add3A_133, %dma_wait3A_136] : memref<200000x128xf32, #tpu.memory_space<any>> -> memref<5000x128xf32, #tpu.memory_space<any>>
      %dma_wait3A_138 = arith.constant 0 : i32
      %dma_wait3A_139 = arith.constant 0 : i32
      %dma_wait3A_140 = tpu.memref_slice %arg10[%rem3A_0, %dma_wait3A, %dma_wait3A_138, %dma_wait3A_139] : memref<2x2x5000x128xf32, #tpu.memory_space<vmem>> -> memref<1x1x5000x128xf32, #tpu.memory_space<vmem>>
      %dma_wait3A_141 = tpu.memref_squeeze %dma_wait3A_140 : memref<1x1x5000x128xf32, #tpu.memory_space<vmem>> -> memref<5000x128xf32, #tpu.memory_space<vmem>>
      tpu.wait_dma2 semaphore(%dma_wait3A_135 : memref<!tpu.dma_semaphore, #tpu.memory_space<semaphore_mem>>) src(%dma_wait3A_141 : memref<5000x128xf32, #tpu.memory_space<vmem>>) dst(%dma_wait3A_137 : memref<5000x128xf32, #tpu.memory_space<any>>)
      %sub3A_142 = arith.constant 2 : i32
      %sub3A_143 = arith.subi %arg0, %sub3A_142 : i32
      %mul3A_144 = arith.constant 5000 : i32
      %mul3A_145 = arith.muli %sub3A_143, %mul3A_144 : i32
      %add3A_146 = arith.constant 100000 : i32
      %add3A_147 = arith.addi %add3A_146, %mul3A_145 : i32
      %dma_wait3A_148 = arith.constant 1 : i32
      %dma_wait3A_149 = tpu.memref_slice %arg11[%rem3A_0] : memref<2x!tpu.dma_semaphore, #tpu.memory_space<semaphore_mem>> -> memref<1x!tpu.dma_semaphore, #tpu.memory_space<semaphore_mem>>
      %dma_wait3A_150 = tpu.memref_squeeze %dma_wait3A_149 : memref<1x!tpu.dma_semaphore, #tpu.memory_space<semaphore_mem>> -> memref<!tpu.dma_semaphore, #tpu.memory_space<semaphore_mem>>
      %dma_wait3A_151 = arith.constant 0 : i32
      %dma_wait3A_152 = tpu.memref_slice %arg8[%add3A_147, %dma_wait3A_151] : memref<200000x128xf32, #tpu.memory_space<any>> -> memref<5000x128xf32, #tpu.memory_space<any>>
      %dma_wait3A_153 = arith.constant 0 : i32
      %dma_wait3A_154 = arith.constant 0 : i32
      %dma_wait3A_155 = tpu.memref_slice %arg10[%rem3A_0, %dma_wait3A_148, %dma_wait3A_153, %dma_wait3A_154] : memref<2x2x5000x128xf32, #tpu.memory_space<vmem>> -> memref<1x1x5000x128xf32, #tpu.memory_space<vmem>>
      %dma_wait3A_156 = tpu.memref_squeeze %dma_wait3A_155 : memref<1x1x5000x128xf32, #tpu.memory_space<vmem>> -> memref<5000x128xf32, #tpu.memory_space<vmem>>
      tpu.wait_dma2 semaphore(%dma_wait3A_150 : memref<!tpu.dma_semaphore, #tpu.memory_space<semaphore_mem>>) src(%dma_wait3A_156 : memref<5000x128xf32, #tpu.memory_space<vmem>>) dst(%dma_wait3A_152 : memref<5000x128xf32, #tpu.memory_space<any>>)
    } else {
    }
    %get3A = arith.constant 0 : index
    %get3A_3 = arith.constant 0 : index
    %get3A_4 = vector.load %arg1[%get3A, %get3A_3] : memref<5000x128xf32, #tpu.memory_space<vmem>>, vector<5000x128xf32>
    %get3A_5 = arith.constant 0 : index
    %get3A_6 = arith.constant 0 : index
    %get3A_7 = vector.load %arg2[%get3A_5, %get3A_6] : memref<5000x128xf32, #tpu.memory_space<vmem>>, vector<5000x128xf32>
    %add3A = arith.addf %get3A_4, %get3A_7 : vector<5000x128xf32>
    %get3A_8 = arith.constant 0 : index
    %get3A_9 = arith.constant 0 : index
    %get3A_10 = vector.load %arg4[%get3A_8, %get3A_9] : memref<1x128xf32, #tpu.memory_space<vmem>>, vector<1x128xf32>
    %get3A_11 = arith.constant 0 : index
    %get3A_12 = arith.constant 0 : index
    %get3A_13 = vector.load %arg5[%get3A_11, %get3A_12] : memref<1x128xf32, #tpu.memory_space<vmem>>, vector<1x128xf32>
    %get3A_14 = arith.constant 0 : index
    %get3A_15 = arith.constant 0 : index
    %get3A_16 = vector.load %arg3[%get3A_14, %get3A_15] : memref<2x128xf32, #tpu.memory_space<vmem>>, vector<1x128xf32>
    %add3A_17 = vector.broadcast %get3A_16 : vector<1x128xf32> to vector<5000x128xf32>
    %add3A_18 = arith.addf %add3A, %add3A_17 : vector<5000x128xf32>
    %reduce_sum3A = arith.constant dense<0.000000e+00> : vector<5000xf32>
    %reduce_sum3A_19 = vector.multi_reduction <add>, %add3A_18, %reduce_sum3A [1] : vector<5000x128xf32> to vector<5000xf32>
    %broadcast_in_dim3A = vector.shape_cast %reduce_sum3A_19 : vector<5000xf32> to vector<5000x1xf32>
    %mul3A = arith.constant 7.812500e-03 : f32
    %mul3A_20 = vector.broadcast %mul3A : f32 to vector<5000x1xf32>
    %mul3A_21 = arith.mulf %broadcast_in_dim3A, %mul3A_20 : vector<5000x1xf32>
    %mul3A_22 = arith.mulf %add3A_18, %add3A_18 : vector<5000x128xf32>
    %reduce_sum3A_23 = arith.constant dense<0.000000e+00> : vector<5000xf32>
    %reduce_sum3A_24 = vector.multi_reduction <add>, %mul3A_22, %reduce_sum3A_23 [1] : vector<5000x128xf32> to vector<5000xf32>
    %broadcast_in_dim3A_25 = vector.shape_cast %reduce_sum3A_24 : vector<5000xf32> to vector<5000x1xf32>
    %mul3A_26 = arith.constant 7.812500e-03 : f32
    %mul3A_27 = vector.broadcast %mul3A_26 : f32 to vector<5000x1xf32>
    %mul3A_28 = arith.mulf %broadcast_in_dim3A_25, %mul3A_27 : vector<5000x1xf32>
    %mul3A_29 = arith.mulf %mul3A_21, %mul3A_21 : vector<5000x1xf32>
    %sub3A = arith.subf %mul3A_28, %mul3A_29 : vector<5000x1xf32>
    %add3A_30 = arith.constant 9.99999997E-7 : f32
    %add3A_31 = vector.broadcast %add3A_30 : f32 to vector<5000x1xf32>
    %add3A_32 = arith.addf %sub3A, %add3A_31 : vector<5000x1xf32>
    %rsqrt3A = math.rsqrt %add3A_32 : vector<5000x1xf32>
    %sub3A_33 = vector.broadcast %mul3A_21 : vector<5000x1xf32> to vector<5000x128xf32>
    %sub3A_34 = arith.subf %add3A_18, %sub3A_33 : vector<5000x128xf32>
    %mul3A_35 = vector.broadcast %rsqrt3A : vector<5000x1xf32> to vector<5000x128xf32>
    %mul3A_36 = arith.mulf %sub3A_34, %mul3A_35 : vector<5000x128xf32>
    %mul3A_37 = vector.broadcast %get3A_10 : vector<1x128xf32> to vector<5000x128xf32>
    %mul3A_38 = arith.mulf %mul3A_36, %mul3A_37 : vector<5000x128xf32>
    %add3A_39 = vector.broadcast %get3A_13 : vector<1x128xf32> to vector<5000x128xf32>
    %add3A_40 = arith.addf %mul3A_38, %add3A_39 : vector<5000x128xf32>
    %swap3A = arith.index_cast %rem3A_0 : i32 to index
    %swap3A_41 = arith.constant 0 : index
    %swap3A_42 = arith.constant 0 : index
    %swap3A_43 = arith.constant 0 : index
    %swap3A_44 = vector.load %arg10[%swap3A, %swap3A_41, %swap3A_42, %swap3A_43] : memref<2x2x5000x128xf32, #tpu.memory_space<vmem>>, vector<1x1x5000x128xf32>
    %swap3A_45 = vector.shape_cast %swap3A_44 : vector<1x1x5000x128xf32> to vector<5000x128xf32>
    %swap3A_46 = vector.shape_cast %add3A_40 : vector<5000x128xf32> to vector<1x1x5000x128xf32>
    tpu.vector_store %arg10[%swap3A, %swap3A_41, %swap3A_42, %swap3A_43], %swap3A_46 {strides = array<i32>} : memref<2x2x5000x128xf32, #tpu.memory_space<vmem>>, vector<1x1x5000x128xf32>,
    %mul3A_47 = arith.constant 5000 : i32
    %mul3A_48 = arith.muli %arg0, %mul3A_47 : i32
    %add3A_49 = arith.constant 0 : i32
    %add3A_50 = arith.addi %add3A_49, %mul3A_48 : i32
    %dma_start3A = arith.constant 0 : i32
    %dma_start3A_51 = tpu.memref_slice %arg11[%rem3A_0] : memref<2x!tpu.dma_semaphore, #tpu.memory_space<semaphore_mem>> -> memref<1x!tpu.dma_semaphore, #tpu.memory_space<semaphore_mem>>
    %dma_start3A_52 = tpu.memref_squeeze %dma_start3A_51 : memref<1x!tpu.dma_semaphore, #tpu.memory_space<semaphore_mem>> -> memref<!tpu.dma_semaphore, #tpu.memory_space<semaphore_mem>>
    %dma_start3A_53 = arith.constant 0 : i32
    %dma_start3A_54 = tpu.memref_slice %arg8[%add3A_50, %dma_start3A_53] : memref<200000x128xf32, #tpu.memory_space<any>> -> memref<5000x128xf32, #tpu.memory_space<any>>
    %dma_start3A_55 = arith.constant 0 : i32
    %dma_start3A_56 = arith.constant 0 : i32
    %dma_start3A_57 = tpu.memref_slice %arg10[%rem3A_0, %dma_start3A, %dma_start3A_55, %dma_start3A_56] : memref<2x2x5000x128xf32, #tpu.memory_space<vmem>> -> memref<1x1x5000x128xf32, #tpu.memory_space<vmem>>
    %dma_start3A_58 = tpu.memref_squeeze %dma_start3A_57 : memref<1x1x5000x128xf32, #tpu.memory_space<vmem>> -> memref<5000x128xf32, #tpu.memory_space<vmem>>
    tpu.enqueue_dma source(%dma_start3A_58 : memref<5000x128xf32, #tpu.memory_space<vmem>>) target(%dma_start3A_54 : memref<5000x128xf32, #tpu.memory_space<any>>) target_semaphore(%dma_start3A_52 : memref<!tpu.dma_semaphore, #tpu.memory_space<semaphore_mem>>)
    %get3A_59 = arith.constant 1 : index
    %get3A_60 = arith.constant 0 : index
    %get3A_61 = vector.load %arg3[%get3A_59, %get3A_60] : memref<2x128xf32, #tpu.memory_space<vmem>>, vector<1x128xf32>
    %add3A_62 = vector.broadcast %get3A_61 : vector<1x128xf32> to vector<5000x128xf32>
    %add3A_63 = arith.addf %add3A, %add3A_62 : vector<5000x128xf32>
    %reduce_sum3A_64 = arith.constant dense<0.000000e+00> : vector<5000xf32>
    %reduce_sum3A_65 = vector.multi_reduction <add>, %add3A_63, %reduce_sum3A_64 [1] : vector<5000x128xf32> to vector<5000xf32>
    %broadcast_in_dim3A_66 = vector.shape_cast %reduce_sum3A_65 : vector<5000xf32> to vector<5000x1xf32>
    %mul3A_67 = arith.constant 7.812500e-03 : f32
    %mul3A_68 = vector.broadcast %mul3A_67 : f32 to vector<5000x1xf32>
    %mul3A_69 = arith.mulf %broadcast_in_dim3A_66, %mul3A_68 : vector<5000x1xf32>
    %mul3A_70 = arith.mulf %add3A_63, %add3A_63 : vector<5000x128xf32>
    %reduce_sum3A_71 = arith.constant dense<0.000000e+00> : vector<5000xf32>
    %reduce_sum3A_72 = vector.multi_reduction <add>, %mul3A_70, %reduce_sum3A_71 [1] : vector<5000x128xf32> to vector<5000xf32>
    %broadcast_in_dim3A_73 = vector.shape_cast %reduce_sum3A_72 : vector<5000xf32> to vector<5000x1xf32>
    %mul3A_74 = arith.constant 7.812500e-03 : f32
    %mul3A_75 = vector.broadcast %mul3A_74 : f32 to vector<5000x1xf32>
    %mul3A_76 = arith.mulf %broadcast_in_dim3A_73, %mul3A_75 : vector<5000x1xf32>
    %mul3A_77 = arith.mulf %mul3A_69, %mul3A_69 : vector<5000x1xf32>
    %sub3A_78 = arith.subf %mul3A_76, %mul3A_77 : vector<5000x1xf32>
    %add3A_79 = arith.constant 9.99999997E-7 : f32
    %add3A_80 = vector.broadcast %add3A_79 : f32 to vector<5000x1xf32>
    %add3A_81 = arith.addf %sub3A_78, %add3A_80 : vector<5000x1xf32>
    %rsqrt3A_82 = math.rsqrt %add3A_81 : vector<5000x1xf32>
    %sub3A_83 = vector.broadcast %mul3A_69 : vector<5000x1xf32> to vector<5000x128xf32>
    %sub3A_84 = arith.subf %add3A_63, %sub3A_83 : vector<5000x128xf32>
    %mul3A_85 = vector.broadcast %rsqrt3A_82 : vector<5000x1xf32> to vector<5000x128xf32>
    %mul3A_86 = arith.mulf %sub3A_84, %mul3A_85 : vector<5000x128xf32>
    %mul3A_87 = vector.broadcast %get3A_10 : vector<1x128xf32> to vector<5000x128xf32>
    %mul3A_88 = arith.mulf %mul3A_86, %mul3A_87 : vector<5000x128xf32>
    %add3A_89 = vector.broadcast %get3A_13 : vector<1x128xf32> to vector<5000x128xf32>
    %add3A_90 = arith.addf %mul3A_88, %add3A_89 : vector<5000x128xf32>
    %swap3A_91 = arith.index_cast %rem3A_0 : i32 to index
    %swap3A_92 = arith.constant 1 : index
    %swap3A_93 = arith.constant 0 : index
    %swap3A_94 = arith.constant 0 : index
    %swap3A_95 = vector.load %arg10[%swap3A_91, %swap3A_92, %swap3A_93, %swap3A_94] : memref<2x2x5000x128xf32, #tpu.memory_space<vmem>>, vector<1x1x5000x128xf32>
    %swap3A_96 = vector.shape_cast %swap3A_95 : vector<1x1x5000x128xf32> to vector<5000x128xf32>
    %swap3A_97 = vector.shape_cast %add3A_90 : vector<5000x128xf32> to vector<1x1x5000x128xf32>
    tpu.vector_store %arg10[%swap3A_91, %swap3A_92, %swap3A_93, %swap3A_94], %swap3A_97 {strides = array<i32>} : memref<2x2x5000x128xf32, #tpu.memory_space<vmem>>, vector<1x1x5000x128xf32>,
    %mul3A_98 = arith.constant 5000 : i32
    %mul3A_99 = arith.muli %arg0, %mul3A_98 : i32
    %add3A_100 = arith.constant 100000 : i32
    %add3A_101 = arith.addi %add3A_100, %mul3A_99 : i32
    %dma_start3A_102 = arith.constant 1 : i32
    %dma_start3A_103 = tpu.memref_slice %arg11[%rem3A_0] : memref<2x!tpu.dma_semaphore, #tpu.memory_space<semaphore_mem>> -> memref<1x!tpu.dma_semaphore, #tpu.memory_space<semaphore_mem>>
    %dma_start3A_104 = tpu.memref_squeeze %dma_start3A_103 : memref<1x!tpu.dma_semaphore, #tpu.memory_space<semaphore_mem>> -> memref<!tpu.dma_semaphore, #tpu.memory_space<semaphore_mem>>
    %dma_start3A_105 = arith.constant 0 : i32
    %dma_start3A_106 = tpu.memref_slice %arg8[%add3A_101, %dma_start3A_105] : memref<200000x128xf32, #tpu.memory_space<any>> -> memref<5000x128xf32, #tpu.memory_space<any>>
    %dma_start3A_107 = arith.constant 0 : i32
    %dma_start3A_108 = arith.constant 0 : i32
    %dma_start3A_109 = tpu.memref_slice %arg10[%rem3A_0, %dma_start3A_102, %dma_start3A_107, %dma_start3A_108] : memref<2x2x5000x128xf32, #tpu.memory_space<vmem>> -> memref<1x1x5000x128xf32, #tpu.memory_space<vmem>>
    %dma_start3A_110 = tpu.memref_squeeze %dma_start3A_109 : memref<1x1x5000x128xf32, #tpu.memory_space<vmem>> -> memref<5000x128xf32, #tpu.memory_space<vmem>>
    tpu.enqueue_dma source(%dma_start3A_110 : memref<5000x128xf32, #tpu.memory_space<vmem>>) target(%dma_start3A_106 : memref<5000x128xf32, #tpu.memory_space<any>>) target_semaphore(%dma_start3A_104 : memref<!tpu.dma_semaphore, #tpu.memory_space<semaphore_mem>>)
    %get3A_111 = arith.constant 0 : index
    %get3A_112 = arith.constant 0 : index
    %get3A_113 = vector.load %arg7[%get3A_111, %get3A_112] : memref<320x128xi32, #tpu.memory_space<vmem>>, vector<320x128xi32>
    %mul3A_114 = arith.constant 100000 : i32
    %mul3A_115 = vector.broadcast %mul3A_114 : i32 to vector<320x128xi32>
    %mul3A_116 = arith.muli %get3A_113, %mul3A_115 : vector<320x128xi32>
    %get3A_117 = arith.constant 0 : index
    %get3A_118 = arith.constant 0 : index
    %get3A_119 = vector.load %arg6[%get3A_117, %get3A_118] : memref<320x128xi32, #tpu.memory_space<vmem>>, vector<320x128xi32>
    %add3A_120 = arith.addi %mul3A_116, %get3A_119 : vector<320x128xi32>
    %swap3A_121 = arith.constant 0 : index
    %swap3A_122 = arith.constant 0 : index
    %swap3A_123 = vector.load %arg9[%swap3A_121, %swap3A_122] : memref<320x128xi32, #tpu.memory_space<vmem>>, vector<320x128xi32>
    tpu.vector_store %arg9[%swap3A_121, %swap3A_122], %add3A_120 {strides = array<i32>} : memref<320x128xi32, #tpu.memory_space<vmem>>, vector<320x128xi32>,
    %eq3A = arith.constant 19 : i32
    %eq3A_124 = arith.cmpi eq, %arg0, %eq3A : i32
    %convert_element_type3A_125 = arith.extui %eq3A_124 : i1 to i32
    %cond3A_126 = arith.constant 0 : i32
    %cond3A_127 = arith.cmpi ne, %convert_element_type3A_125, %cond3A_126 : i32
    scf.if %cond3A_127 {
      %sub3A_128 = arith.constant 1 : i32
      %sub3A_129 = arith.subi %arg0, %sub3A_128 : i32
      %rem3A_130 = arith.constant 2 : i32
      %rem3A_131 = arith.remsi %sub3A_129, %rem3A_130 : i32
      %sub3A_132 = arith.constant 1 : i32
      %sub3A_133 = arith.subi %arg0, %sub3A_132 : i32
      %mul3A_134 = arith.constant 5000 : i32
      %mul3A_135 = arith.muli %sub3A_133, %mul3A_134 : i32
      %add3A_136 = arith.constant 0 : i32
      %add3A_137 = arith.addi %add3A_136, %mul3A_135 : i32
      %dma_wait3A = arith.constant 0 : i32
      %dma_wait3A_138 = tpu.memref_slice %arg11[%rem3A_131] : memref<2x!tpu.dma_semaphore, #tpu.memory_space<semaphore_mem>> -> memref<1x!tpu.dma_semaphore, #tpu.memory_space<semaphore_mem>>
      %dma_wait3A_139 = tpu.memref_squeeze %dma_wait3A_138 : memref<1x!tpu.dma_semaphore, #tpu.memory_space<semaphore_mem>> -> memref<!tpu.dma_semaphore, #tpu.memory_space<semaphore_mem>>
      %dma_wait3A_140 = arith.constant 0 : i32
      %dma_wait3A_141 = tpu.memref_slice %arg8[%add3A_137, %dma_wait3A_140] : memref<200000x128xf32, #tpu.memory_space<any>> -> memref<5000x128xf32, #tpu.memory_space<any>>
      %dma_wait3A_142 = arith.constant 0 : i32
      %dma_wait3A_143 = arith.constant 0 : i32
      %dma_wait3A_144 = tpu.memref_slice %arg10[%rem3A_131, %dma_wait3A, %dma_wait3A_142, %dma_wait3A_143] : memref<2x2x5000x128xf32, #tpu.memory_space<vmem>> -> memref<1x1x5000x128xf32, #tpu.memory_space<vmem>>
      %dma_wait3A_145 = tpu.memref_squeeze %dma_wait3A_144 : memref<1x1x5000x128xf32, #tpu.memory_space<vmem>> -> memref<5000x128xf32, #tpu.memory_space<vmem>>
      tpu.wait_dma2 semaphore(%dma_wait3A_139 : memref<!tpu.dma_semaphore, #tpu.memory_space<semaphore_mem>>) src(%dma_wait3A_145 : memref<5000x128xf32, #tpu.memory_space<vmem>>) dst(%dma_wait3A_141 : memref<5000x128xf32, #tpu.memory_space<any>>)
      %sub3A_146 = arith.constant 1 : i32
      %sub3A_147 = arith.subi %arg0, %sub3A_146 : i32
      %mul3A_148 = arith.constant 5000 : i32
      %mul3A_149 = arith.muli %sub3A_147, %mul3A_148 : i32
      %add3A_150 = arith.constant 100000 : i32
      %add3A_151 = arith.addi %add3A_150, %mul3A_149 : i32
      %dma_wait3A_152 = arith.constant 1 : i32
      %dma_wait3A_153 = tpu.memref_slice %arg11[%rem3A_131] : memref<2x!tpu.dma_semaphore, #tpu.memory_space<semaphore_mem>> -> memref<1x!tpu.dma_semaphore, #tpu.memory_space<semaphore_mem>>
      %dma_wait3A_154 = tpu.memref_squeeze %dma_wait3A_153 : memref<1x!tpu.dma_semaphore, #tpu.memory_space<semaphore_mem>> -> memref<!tpu.dma_semaphore, #tpu.memory_space<semaphore_mem>>
      %dma_wait3A_155 = arith.constant 0 : i32
      %dma_wait3A_156 = tpu.memref_slice %arg8[%add3A_151, %dma_wait3A_155] : memref<200000x128xf32, #tpu.memory_space<any>> -> memref<5000x128xf32, #tpu.memory_space<any>>
      %dma_wait3A_157 = arith.constant 0 : i32
      %dma_wait3A_158 = arith.constant 0 : i32
      %dma_wait3A_159 = tpu.memref_slice %arg10[%rem3A_131, %dma_wait3A_152, %dma_wait3A_157, %dma_wait3A_158] : memref<2x2x5000x128xf32, #tpu.memory_space<vmem>> -> memref<1x1x5000x128xf32, #tpu.memory_space<vmem>>
      %dma_wait3A_160 = tpu.memref_squeeze %dma_wait3A_159 : memref<1x1x5000x128xf32, #tpu.memory_space<vmem>> -> memref<5000x128xf32, #tpu.memory_space<vmem>>
      tpu.wait_dma2 semaphore(%dma_wait3A_154 : memref<!tpu.dma_semaphore, #tpu.memory_space<semaphore_mem>>) src(%dma_wait3A_160 : memref<5000x128xf32, #tpu.memory_space<vmem>>) dst(%dma_wait3A_156 : memref<5000x128xf32, #tpu.memory_space<any>>)
      %sub3A_161 = arith.constant 0 : i32
      %sub3A_162 = arith.subi %arg0, %sub3A_161 : i32
      %rem3A_163 = arith.constant 2 : i32
      %rem3A_164 = arith.remsi %sub3A_162, %rem3A_163 : i32
      %sub3A_165 = arith.constant 0 : i32
      %sub3A_166 = arith.subi %arg0, %sub3A_165 : i32
      %mul3A_167 = arith.constant 5000 : i32
      %mul3A_168 = arith.muli %sub3A_166, %mul3A_167 : i32
      %add3A_169 = arith.constant 0 : i32
      %add3A_170 = arith.addi %add3A_169, %mul3A_168 : i32
      %dma_wait3A_171 = arith.constant 0 : i32
      %dma_wait3A_172 = tpu.memref_slice %arg11[%rem3A_164] : memref<2x!tpu.dma_semaphore, #tpu.memory_space<semaphore_mem>> -> memref<1x!tpu.dma_semaphore, #tpu.memory_space<semaphore_mem>>
      %dma_wait3A_173 = tpu.memref_squeeze %dma_wait3A_172 : memref<1x!tpu.dma_semaphore, #tpu.memory_space<semaphore_mem>> -> memref<!tpu.dma_semaphore, #tpu.memory_space<semaphore_mem>>
      %dma_wait3A_174 = arith.constant 0 : i32
      %dma_wait3A_175 = tpu.memref_slice %arg8[%add3A_170, %dma_wait3A_174] : memref<200000x128xf32, #tpu.memory_space<any>> -> memref<5000x128xf32, #tpu.memory_space<any>>
      %dma_wait3A_176 = arith.constant 0 : i32
      %dma_wait3A_177 = arith.constant 0 : i32
      %dma_wait3A_178 = tpu.memref_slice %arg10[%rem3A_164, %dma_wait3A_171, %dma_wait3A_176, %dma_wait3A_177] : memref<2x2x5000x128xf32, #tpu.memory_space<vmem>> -> memref<1x1x5000x128xf32, #tpu.memory_space<vmem>>
      %dma_wait3A_179 = tpu.memref_squeeze %dma_wait3A_178 : memref<1x1x5000x128xf32, #tpu.memory_space<vmem>> -> memref<5000x128xf32, #tpu.memory_space<vmem>>
      tpu.wait_dma2 semaphore(%dma_wait3A_173 : memref<!tpu.dma_semaphore, #tpu.memory_space<semaphore_mem>>) src(%dma_wait3A_179 : memref<5000x128xf32, #tpu.memory_space<vmem>>) dst(%dma_wait3A_175 : memref<5000x128xf32, #tpu.memory_space<any>>)
      %sub3A_180 = arith.constant 0 : i32
      %sub3A_181 = arith.subi %arg0, %sub3A_180 : i32
      %mul3A_182 = arith.constant 5000 : i32
      %mul3A_183 = arith.muli %sub3A_181, %mul3A_182 : i32
      %add3A_184 = arith.constant 100000 : i32
      %add3A_185 = arith.addi %add3A_184, %mul3A_183 : i32
      %dma_wait3A_186 = arith.constant 1 : i32
      %dma_wait3A_187 = tpu.memref_slice %arg11[%rem3A_164] : memref<2x!tpu.dma_semaphore, #tpu.memory_space<semaphore_mem>> -> memref<1x!tpu.dma_semaphore, #tpu.memory_space<semaphore_mem>>
      %dma_wait3A_188 = tpu.memref_squeeze %dma_wait3A_187 : memref<1x!tpu.dma_semaphore, #tpu.memory_space<semaphore_mem>> -> memref<!tpu.dma_semaphore, #tpu.memory_space<semaphore_mem>>
      %dma_wait3A_189 = arith.constant 0 : i32
      %dma_wait3A_190 = tpu.memref_slice %arg8[%add3A_185, %dma_wait3A_189] : memref<200000x128xf32, #tpu.memory_space<any>> -> memref<5000x128xf32, #tpu.memory_space<any>>
      %dma_wait3A_191 = arith.constant 0 : i32
      %dma_wait3A_192 = arith.constant 0 : i32
      %dma_wait3A_193 = tpu.memref_slice %arg10[%rem3A_164, %dma_wait3A_186, %dma_wait3A_191, %dma_wait3A_192] : memref<2x2x5000x128xf32, #tpu.memory_space<vmem>> -> memref<1x1x5000x128xf32, #tpu.memory_space<vmem>>
      %dma_wait3A_194 = tpu.memref_squeeze %dma_wait3A_193 : memref<1x1x5000x128xf32, #tpu.memory_space<vmem>> -> memref<5000x128xf32, #tpu.memory_space<vmem>>
      tpu.wait_dma2 semaphore(%dma_wait3A_188 : memref<!tpu.dma_semaphore, #tpu.memory_space<semaphore_mem>>) src(%dma_wait3A_194 : memref<5000x128xf32, #tpu.memory_space<vmem>>) dst(%dma_wait3A_190 : memref<5000x128xf32, #tpu.memory_space<any>>)
    } else {
    }
    return
  }
  func.func @transform_0(%arg0: i32) -> (i32, i32) {
    %c0_i32 = arith.constant 0 : i32
    %c0_i32_0 = arith.constant 0 : i32
    return %arg0, %c0_i32 : i32, i32
  }
  func.func @transform_1(%arg0: i32) -> (i32, i32) {
    %c0_i32 = arith.constant 0 : i32
    %c0_i32_0 = arith.constant 0 : i32
    return %arg0, %c0_i32 : i32, i32
  }
  func.func @transform_2(%arg0: i32) -> (i32, i32) {
    %c0_i32 = arith.constant 0 : i32
    %c0_i32_0 = arith.constant 0 : i32
    %c0_i32_1 = arith.constant 0 : i32
    return %c0_i32, %c0_i32_0 : i32, i32
  }
  func.func @transform_3(%arg0: i32) -> (i32, i32) {
    %c0_i32 = arith.constant 0 : i32
    %c0_i32_0 = arith.constant 0 : i32
    %c0_i32_1 = arith.constant 0 : i32
    return %c0_i32, %c0_i32_0 : i32, i32
  }
  func.func @transform_4(%arg0: i32) -> (i32, i32) {
    %c0_i32 = arith.constant 0 : i32
    %c0_i32_0 = arith.constant 0 : i32
    %c0_i32_1 = arith.constant 0 : i32
    return %c0_i32, %c0_i32_0 : i32, i32
  }
  func.func @transform_5(%arg0: i32) -> (i32, i32) {
    %c0_i32 = arith.constant 0 : i32
    %c0_i32_0 = arith.constant 0 : i32
    return %arg0, %c0_i32 : i32, i32
  }
  func.func @transform_6(%arg0: i32) -> (i32, i32) {
    %c0_i32 = arith.constant 0 : i32
    %c0_i32_0 = arith.constant 0 : i32
    return %arg0, %c0_i32 : i32, i32
  }
  func.func @transform_8(%arg0: i32) -> (i32, i32) {
    %c0_i32 = arith.constant 0 : i32
    %c0_i32_0 = arith.constant 0 : i32
    return %arg0, %c0_i32 : i32, i32
  }
}

</mosaic_0001>

<sc_bundles>
// kernel: kernel.4.cloned.1.call-start
scs
__scs_entry_jumppad:
0x0: {  	(pc) =	sbr.rel $0x88, $3  }
0x1: {  	(tag) =	ssettag $0x0;
	lr =	simm.s32 $0x1  }
0x2: {  	[smem:$0x3F9A] =	sst lr;
	_ =	strace $0xD0000000  }
0x3: {  	_ = 	snop  }
0x4: {  	_ = 	snop  }
0x5: {  	_ = 	snop  }
0x6: {  	_ = 	snop  }
0x7: {  	_ = 	snop  }
__scs_overlays_trampoline_lowered:
0x8: {  	[smem:$0x3FA9] =	sst s0  }
0x9: {  	[smem:$0x3FAA] =	sst s1  }
0xa: {  	[smem:$0x3FAB] =	sst s2  }
0xb: {  	[smem:$0x3FAC] =	sst s3  }
0xc: {  	[smem:$0x3FAD] =	sst s4  }
0xd: {  	[smem:$0x3FAE] =	sst s5  }
0xe: {  	[smem:$0x3FAF] =	sst s6  }
0xf: {  	[smem:$0x3FB0] =	sst s7  }
0x10: {  	[smem:$0x3FB1] =	sst s8  }
0x11: {  	[smem:$0x3FB2] =	sst s9;
	s0 =	simm.s32 @!p0 $0x0  }
0x12: {  	s1 =	sld [smem:$0x3F98];
	s0 =	simm.s32 @p0 $0x1  }
0x13: {  	[smem:$0x3FB3] =	sst s0;
	s0 =	simm.s32 @!p1 $0x0  }
0x14: {  	s2 =	sld [smem:$0x3F97];
	s0 =	simm.s32 @p1 $0x1  }
0x15: {  	[smem:$0x3FB4] =	sst s0;
	s0 =	simm.s32 @!p2 $0x0  }
0x16: {  	s3 =	sld [smem:$0x3FDB];
	s0 =	simm.s32 @p2 $0x1  }
0x17: {  	s4 =	simm.s32 $0x1BF5;
	[smem:$0x3FB6] =	sst s0  }
0x18: {  	s0 =	sld [smem:$0x3F99];
	_ =	swait.ge [sflag:s4], $0x0  }
0x19: {  	s7 =	sld [smem:$0x3F9A]  }
0x1a: {  	s8 =	sadd.s32 $0xFFFFE003, lr  }
0x1b: {  	s9 =	sadd.s32 $0xFFFFFEF7, lr;
	s5 =	simm.s32 $0xFFFFFFFF;
	p2 =	slt.u32 s8, $0xFFFFF086  }
0x1c: {  	p1 =	slt.u32 s9, $0xF7A;
	s5 =	simm.s32 @!p2 $0x0  }
0x1d: {  	s5 =	simm.s32 @p1 $0x1;
	p0 =	seq.s32 s7, s2  }
0x1e: {  	s7 =	smul.u32 @!p0 $0xF7A, s2;
	p2 =	seq.s32 @!p0 s5, $0x0  }
0x1f: {  	s9 =	smul.u32 $0xF7A, s1;
	s8 =	simm.s32 @!p0 $0x1BF5;
	p2 =	por !p2, p0  }
0x20: {  	[sflag:s8] =	ssyncset.s32 @!p0 $0xFFFFF086;
	s6 =	sadd.s32 @!p0 s3, s7;
	s7 =	simm.s32 @!p0 $0x108  }
0x21: {  	s3 =	sadd.s32 s3, s9;
	s6 =	sadd.s32 @!p0 $0x88, s6;
	s7 =	simm.s32 @p2 $0x1082  }
0x22: {  	[simem:s7], [sflag:s8] =	dma.local @!p0 [hbm:s6], $0xF7A  }
0x23: {  	s9 =	sor.u32 $0xD0000000, s2;
	s6 =	simm.s32 $0x108;
	_ =	swait.ge @!p0 [sflag:s8], $0x0  }
0x24: {  	s3 =	sadd.s32 $0x88, s3;
	s6 =	simm.s32 @!p1 $0x1082;
	[sflag:s4] =	ssyncset.s32 $0xFFFFF086  }
0x25: {  	[simem:s6], [sflag:s4] =	dma.local [hbm:s3], $0xF7A  }
0x26: {  	[smem:$0x3F9A] =	sst s1;
	(tag) =	ssettag s2;
	_ =	strace s9  }
0x27: {  	s1 =	sld [smem:$0x3FAA]  }
0x28: {  	s2 =	sld [smem:$0x3FAB]  }
0x29: {  	s4 =	sld [smem:$0x3FAD]  }
0x2a: {  	p0 =	seq.s32 s5, $0x0;
	s5 =	sld [smem:$0x3FAE]  }
0x2b: {  	s6 =	sld [smem:$0x3FAF]  }
0x2c: {  	s7 =	sld [smem:$0x3FB0]  }
0x2d: {  	s3 =	simm.s32 $0x108;
	s8 =	sld [smem:$0x3FB1]  }
0x2e: {  	s3 =	simm.s32 @!p0 $0x1082;
	s9 =	sld [smem:$0x3FB2]  }
0x2f: {  	lr =	sadd.s32 s0, s3;
	s0 =	sld [smem:$0x3FA9]  }
0x30: {  	s3 =	sld [smem:$0x3FAC]  }
0x31: {  	[smem:$0x3FB5] =	sst s10  }
0x32: {  	s10 =	sld [smem:$0x3FB3];
	_ =	sdelay $0x3  }
0x33: {  	p0 =	seq.s32 s10, $0x1;
	s10 =	sld [smem:$0x3FB5];
	_ =	sdelay $0x3  }
0x34: {  	[smem:$0x3FB5] =	sst s10  }
0x35: {  	s10 =	sld [smem:$0x3FB4];
	_ =	sdelay $0x3  }
0x36: {  	p1 =	seq.s32 s10, $0x1;
	s10 =	sld [smem:$0x3FB5];
	_ =	sdelay $0x3  }
0x37: {  	[smem:$0x3FB5] =	sst s10  }
0x38: {  	s10 =	sld [smem:$0x3FB6]  }
0x39: {  	_ = 	snop;
	(pc) =	sbr.ind lr, $3  }
0x3a: {  	_ = 	snop  }
0x3b: {  	_ = 	snop  }
0x3c: {  	p2 =	seq.s32 s10, $0x1;
	s10 =	sld [smem:$0x3FB5]  }
0x3d: {  	_ =	shalt  }
0x3e: {  	_ =	shalt  }
0x3f: {  	_ =	shalt  }
0x40: {  	_ =	shalt  }
0x41: {  	_ =	shalt  }
0x42: {  	_ =	shalt  }
0x43: {  	_ =	shalt  }
0x44: {  	_ =	shalt  }
0x45: {  	_ =	shalt  }
0x46: {  	_ =	shalt  }
0x47: {  	_ =	shalt  }
0x48: {  	_ =	shalt  }
0x49: {  	_ =	shalt  }
0x4a: {  	_ =	shalt  }
0x4b: {  	_ =	shalt  }
0x4c: {  	_ =	shalt  }
0x4d: {  	_ =	shalt  }
0x4e: {  	_ =	shalt  }
0x4f: {  	_ =	shalt  }
0x50: {  	_ =	shalt  }
0x51: {  	_ =	shalt  }
0x52: {  	_ =	shalt  }
0x53: {  	_ =	shalt  }
0x54: {  	_ =	shalt  }
0x55: {  	_ =	shalt  }
0x56: {  	_ =	shalt  }
0x57: {  	_ =	shalt  }
0x58: {  	_ =	shalt  }
0x59: {  	_ =	shalt  }
0x5a: {  	_ =	shalt  }
0x5b: {  	_ =	shalt  }
0x5c: {  	_ =	shalt  }
0x5d: {  	_ =	shalt  }
0x5e: {  	_ =	shalt  }
0x5f: {  	_ =	shalt  }
0x60: {  	_ =	shalt  }
0x61: {  	_ =	shalt  }
0x62: {  	_ =	shalt  }
0x63: {  	_ =	shalt  }
0x64: {  	_ =	shalt  }
0x65: {  	_ =	shalt  }
0x66: {  	_ =	shalt  }
0x67: {  	_ =	shalt  }
0x68: {  	_ =	shalt  }
0x69: {  	_ =	shalt  }
0x6a: {  	_ =	shalt  }
0x6b: {  	_ =	shalt  }
0x6c: {  	_ =	shalt  }
0x6d: {  	_ =	shalt  }
0x6e: {  	_ =	shalt  }
0x6f: {  	_ =	shalt  }
0x70: {  	_ =	shalt  }
0x71: {  	_ =	shalt  }
0x72: {  	_ =	shalt  }
0x73: {  	_ =	shalt  }
0x74: {  	_ =	shalt  }
0x75: {  	_ =	shalt  }
0x76: {  	_ =	shalt  }
0x77: {  	_ =	shalt  }
0x78: {  	_ =	shalt  }
0x79: {  	_ =	shalt  }
0x7a: {  	_ =	shalt  }
0x7b: {  	_ =	shalt  }
0x7c: {  	_ =	shalt  }
0x7d: {  	_ =	shalt  }
0x7e: {  	_ =	shalt  }
0x7f: {  	_ =	shalt  }
0x80: {  	_ =	shalt  }
0x81: {  	_ =	shalt  }
0x82: {  	_ =	shalt  }
0x83: {  	_ =	shalt  }
0x84: {  	_ =	shalt  }
0x85: {  	_ =	shalt  }
0x86: {  	_ =	shalt  }
0x87: {  	_ =	shalt  }
.Lfunc_end0:
.L_simem_size_0:
called_computation_lowered:
.L_overlay_start_0:
0x88: {  	s2 =	sld [smem:$0x3FD9]  }
0x89: {  	s3 =	sld [smem:$0x3FFE];
	_ =	sdelay $0x1  }
0x8a: {  	s1 =	srdreg.scid  }
0x8b: {  	s0 =	sand.u32 $0x1, s1  }
0x8c: {  	s17 =	sshll.u32 s0, $0xA;
	s2 =	sadd.s32 s3, s2  }
0x8d: {  	s2 =	sadd.s32 s2, s17  }
0x8e: {  	[smem:$0x3FC1] =	sst s2  }
0x8f: {  	_ = 	snop  }
0x90: {  	s2 =	sld [smem:$0x3FD0];
	(tm) =	ssettm $0x1  }
0x91: {  	s18 =	sld [smem:$0x3FFB];
	_ =	sdelay $0x3  }
0x92: {  	_ =	strace s18  }
0x93: {  	s3 =	sld [smem:$0x3FFC];
	_ =	sdelay $0x3  }
0x94: {  	_ =	strace s3  }
0x95: {  	s3 =	sld [smem:$0x3FFD];
	_ =	sdelay $0x3  }
0x96: {  	_ =	strace s3  }
0x97: {  	_ =	strace $0x8FFFFFFF  }
0x98: {  	s19 =	sld [smem:$0x3FDB];
	_ =	sdelay $0x1  }
0x99: {  	s4 =	simm.s32 $_scs_section_size  }
0x9a: {  	s5 =	simm.s32 $_size__tile_overlayer_lowered;
	s6 =	simm.s32 $_tile_overlayer_lowered  }
0x9b: {  	s22 =	simm.s32 $0x1BFF;
	s21 =	sshll.u32 s6, $0x1;
	s3 =	sadd.s32 s4, s19  }
0x9c: {  	s7 =	simm.s32 $0x0;
	s20 =	sshll.u32 s5, $0x1;
	s5 =	sadd.s32 s21, s3  }
0x9d: {  	[timem:s7], [sflag:s22] =	dma.local [hbm:s5], s20  }
0x9e: {  	_ =	swait.ge [sflag:s22], s20  }
0x9f: {  	s4 =	ssub.s32 $0x0, s20;
	[sflag:s22] =	ssyncset.done $0x0  }
0xa0: {  	[sflag:s22] =	ssyncadd.s32 s4;
	_ =	sdelay $0x1  }
0xa1: {  	s23 =	simm.s32 $0x1B8B  }
0xa2: {  	_ =	swait.ge [sflag:s23], $0x1  }
0xa3: {  	[sflag:s23] =	ssyncset.done $0x0  }
0xa4: {  	s25 =	simm.s32 $0x1B8E;
	s24 =	sld [smem:$0x3FFE];
	[sflag:s23] =	ssyncadd.s32 $0xFFFFFFFF  }
0xa5: {  	s26 =	simm.s32 $execute0_lowered;
	[smem:$0x3FD2] =	sst s25  }
0xa6: {  	s5 =	sshll.u32 s26, $0x1;
	_ =	strace $0x80000046;
	[dreg:$0x1] =	wrdreg $0xFFFFFFFF  }
0xa7: {  	s28 =	simm.s32 $_size_execute0_lowered;
	s3 =	sadd.s32 s3, s5;
	[dreg:$0x0] =	wrdreg $0x0  }
0xa8: {  	s5 =	sshll.u32 s28, $0x1;
	[dreg:$0x2] =	wrdreg s3  }
0xa9: {  	[dreg:$0x3] =	wrdreg s5  }
0xaa: {  	[dreg:$0x4] =	wrdreg $0xC0  }
0xab: {  	_ =	task [dreg:s7], $0x5FFFF  }
0xac: {  	[dreg:$0x1] =	wrdreg $0xFFFFFFFF  }
0xad: {  	[dreg:$0x0] =	wrdreg $0x60  }
0xae: {  	[dreg:$0x2] =	wrdreg s24  }
0xaf: {  	[dreg:$0x3] =	wrdreg s2  }
0xb0: {  	[dreg:$0x4] =	wrdreg $0x9  }
0xb1: {  	_ =	task.clear_ibuf [dreg:s7], $0x5FFFF;
	_ =	strace $0x90000046  }
0xb2: {  	s29 =	simm.s32 $0x9;
	_ =	strace $0x80000048  }
0xb3: {  	_ =	swait.ge [sflag:s29], $0x1  }
0xb4: {  	[sflag:s29] =	ssyncadd.s32 $0xFFFFFFFF  }
0xb5: {  	_ =	strace $0x90000048  }
0xb6: {  	_ =	sfence  }
0xb7: {  	s30 =	sld [smem:$0x0];
	_ =	sdelay $0x2  }
0xb8: {  	s31 =	sshll.u32 s1, $0xD;
	s1 =	sshrl.u32 s1, $0x2  }
0xb9: {  	s3 =	sand.u32 $0x4000, s31;
	s1 =	sadd.s32 s1, s30  }
0xba: {  	s0 =	sor.u32 s3, s0;
	s1 =	sshll.u32 s1, $0x11  }
0xbb: {  	s0 =	sor.u32 s1, s0  }
0xbc: {  	s0 =	sadd.s32 $0x8F2B, s0  }
0xbd: {  	[sflag:s0] =	ssyncadd.remote.s32 $0x1  }
0xbe: {  	_ =	sfence.sel $0xFFFF  }
0xbf: {  	[dreg:$0x0] =	wrdreg $0xFFFFFFFF;
	(pc) =	sbr.abs _section_cstart, $3  }
0xc0: {  	[dreg:$0x1] =	wrdreg $0xFFFFFFFF  }
0xc1: {  	_ =	task.clear_ibuf [dreg:s7], $0x2FFFF;
	_ =	strace $0x9FFFFFFF  }
0xc2: {  	(tm) =	ssettm $0x7FFFFFFF  }
0xc3: {  	_ =	shalt  }
tec
execute0_lowered:
.L_overlay_start_1:
0x0: {  	(tag) =	ssettag $0x1  }
0x1: {  	s3 =	rddreg [dreg:$0x0];
	s1 =	srdreg.scid  }
0x2: {  	s0 =	stileid.u32;
	s8 =	rddreg [dreg:$0x1];
	s2 =	simm.s32 $0x0  }
0x3: {  	s11 =	simm.s32 $0x6400;
	s12 =	simm.s32 $0xA400;
	s14 =	simm.s32 $0xE400  }
0x4: {  	s15 =	simm.s32 $0x12400;
	s16 =	simm.s32 $0x1;
	s17 =	simm.s32 $0x5  }
0x5: {  	s18 =	simm.s32 $0x2;
	s19 =	simm.s32 $0x6;
	s20 =	simm.s32 $0x3  }
0x6: {  	s21 =	simm.s32 $0x7;
	s22 =	simm.s32 $0x4;
	s23 =	simm.s32 $0x8  }
0x7: {  	s24 =	simm.s32 $0x0;
	s6 =	sand.u32 $0x1, s1;
	s7 =	smul.u32 $0x640000, s0  }
0x8: {  	s4 =	sshll.u32 s0, $0x1;
	[smem:$0x7FF] =	sst s2;
	s28 =	smul.u32 $0xC8000, s0  }
0x9: {  	s4 =	sor.u32 s6, s4;
	s5 =	ssub.s32 $0x2, s6;
	s10 =	smul.u32 $0x320000, s6  }
0xa: {  	_ =	strace $0x80000047;
	s4 =	smul.u32 $0xC80, s4;
	s9 =	sshrl.u32 s5, $0x1  }
0xb: {  	s29 =	smul.u32 $0x64000, s6;
	s5 =	ssub.s32 s5, s9;
	s7 =	sadd.s32 s10, s7  }
0xc: {  	s9 =	sadd.s32 s28, s8;
	s10 =	simm.s32 $0x80;
	s4 =	sadd.s32 s4, s3  }
0xd: {  	s3 =	sadd.s32 $0x1000, s3;
	s5 =	smax.u32 s5, $0x1;
	s30 =	sshrl.u32 s7, $0x3  }
0xe: {  	s7 =	sor.u32 $0xC000, s7;
	s9 =	sadd.s32 s29, s9;
	s26 =	sadd.s32 $0x30E400, s4  }
0xf: {  	s6 =	sadd.s32 s30, s8;
	s31 =	sshrl.u32 s7, $0x3;
	s7 =	sadd.s32 $0x1000, s9  }
0x10: {  	s9 =	simm.s32 $0x9;
	[dreg:$0x3] =	wrdreg s26;
	s8 =	sadd.s32 s31, s8  }
.LBB2_1:
0x11: {  	s0 =	rddreg [dreg:$0x3]  }
0x12: {  	[tilespmem:s2], [sflag:$0x9] =	stream.linear.gather [hbm4b:s0+s2], $0x6400, $0x38;
	[tilespmem:$0x16400] =	vst v63  }
0x13: {  	_ =	swait.ge [sflag:s9], $0x6400  }
0x14: {  	[sflag:s9] =	ssyncset.done $0x0  }
0x15: {  	[sflag:s9] =	ssyncadd.s32 $0xFFFF9C00  }
0x16: {  	[tilespmem:s11], [sflag:$0x1] =	stream.indirect.gather [hbm4b:s3+s10], $0x80, s2, s10, $0xb8;
	[tilespmem:$0x16400] =	vst v63  }
0x17: {  	p0 =	por $0x1, $0x1  }
0x18: {  	[tilespmem:s12], [sflag:$0x2] =	stream.indirect.gather [hbm4b:s3+s10], $0x80, s10, s10, $0xb8;
	[tilespmem:$0x16400] =	vst v63  }
0x19: {  	s4 =	simm.s32 $0x100;
	s25 =	simm.s32 @!p0 $0x8  }
0x1a: {  	[tilespmem:s14], [sflag:$0x3] =	stream.indirect.gather [hbm4b:s3+s10], $0x80, s4, s10, $0xb8;
	[tilespmem:$0x16400] =	vst v63  }
0x1b: {  	_ =	swait.ge @!p0 [sflag:s25], $0x4000  }
0x1c: {  	[sflag:s25] =	ssyncset.done @!p0 $0x0  }
0x1d: {  	s13 =	simm.s32 $0x180;
	[sflag:s25] =	ssyncadd.s32 @!p0 $0xFFFFC000  }
0x1e: {  	[tilespmem:s15], [sflag:$0x4] =	stream.indirect.gather [hbm4b:s3+s10], $0x80, s13, s10, $0xb8;
	[tilespmem:$0x16400] =	vst v63  }
0x1f: {  	_ =	swait.ge [sflag:s16], $0x4000  }
0x20: {  	[sflag:s16] =	ssyncset.done $0x0  }
0x21: {  	[sflag:s16] =	ssyncadd.s32 $0xFFFFC000  }
0x22: {  	[hbm4b:s6+s2] =	stream.linear.scatter [tilespmem:s11], [sflag:$0x5], $0x4000, $0x38;
	[tilespmem:$0x16400] =	vst v63  }
0x23: {  	p0 =	por $0x0, $0x0;
	_ =	swait.ge [sflag:s17], $0x4000  }
0x24: {  	s25 =	simm.s32 @!p0 $0x6400;
	[sflag:s17] =	ssyncset.done $0x0  }
0x25: {  	s26 =	simm.s32 @!p0 $0x200;
	s29 =	simm.s32 @!p0 $0x80;
	[sflag:s17] =	ssyncadd.s32 $0xFFFFC000  }
0x26: {  	[tilespmem:s25], [sflag:$0x1] =	stream.indirect.gather @!p0 [hbm4b:s3+s29], $0x80, s26, s29, $0xb8;
	[tilespmem:$0x16400] =	vst v63  }
0x27: {  	_ =	swait.ge [sflag:s18], $0x4000  }
0x28: {  	[sflag:s18] =	ssyncset.done $0x0  }
0x29: {  	s26 =	sadd.s32 $0xFFFFF800, s7;
	[sflag:s18] =	ssyncadd.s32 $0xFFFFC000  }
0x2a: {  	[hbm4b:s26+s2] =	stream.linear.scatter [tilespmem:s12], [sflag:$0x6], $0x4000, $0x38;
	[tilespmem:$0x16400] =	vst v63  }
0x2b: {  	_ =	swait.ge [sflag:s19], $0x4000  }
0x2c: {  	[sflag:s19] =	ssyncset.done $0x0  }
0x2d: {  	s25 =	simm.s32 @!p0 $0x280;
	s26 =	simm.s32 @!p0 $0xA400;
	[sflag:s19] =	ssyncadd.s32 $0xFFFFC000  }
0x2e: {  	[tilespmem:s26], [sflag:$0x2] =	stream.indirect.gather @!p0 [hbm4b:s3+s29], $0x80, s25, s29, $0xb8;
	[tilespmem:$0x16400] =	vst v63  }
0x2f: {  	_ =	swait.ge [sflag:s20], $0x4000  }
0x30: {  	[sflag:s20] =	ssyncset.done $0x0  }
0x31: {  	[sflag:s20] =	ssyncadd.s32 $0xFFFFC000  }
0x32: {  	[hbm4b:s7+s2] =	stream.linear.scatter [tilespmem:s14], [sflag:$0x7], $0x4000, $0x38;
	[tilespmem:$0x16400] =	vst v63  }
0x33: {  	s28 =	simm.s32 $0x800;
	_ =	swait.ge [sflag:s21], $0x4000  }
0x34: {  	s30 =	simm.s32 $0x1000;
	p1 =	por $0x0, $0x0;
	[sflag:s21] =	ssyncset.done $0x0  }
0x35: {  	s25 =	simm.s32 @!p0 $0x300;
	s26 =	simm.s32 @!p0 $0xE400;
	[sflag:s21] =	ssyncadd.s32 $0xFFFFC000  }
0x36: {  	[tilespmem:s26], [sflag:$0x3] =	stream.indirect.gather @!p0 [hbm4b:s3+s29], $0x80, s25, s29, $0xb8;
	[tilespmem:$0x16400] =	vst v63  }
0x37: {  	s31 =	smov.u32 s8;
	s26 =	sadd.s32 $0x2000, s7;
	_ =	swait.ge [sflag:s22], $0x4000  }
0x38: {  	s25 =	sadd.s32 $0x2000, s8;
	s29 =	sadd.s32 $0x2000, s6;
	[sflag:s22] =	ssyncset.done $0x0  }
.LBB2_2:
0x39: {  	s1 =	simm.s32 @!p1 $0x8  }
0x3a: {  	[sflag:s22] =	ssyncadd.s32 $0xFFFFC000;
	s0 =	smov.u32 s30;
	s30 =	sadd.s32 $0x800, s30  }
0x3b: {  	[hbm4b:s31+s2] =	stream.linear.scatter [tilespmem:s15], [sflag:$0x8], $0x4000, $0x38;
	[tilespmem:$0x16400] =	vst v63  }
0x3c: {  	p0 =	sne.s32 s30, $0x19000;
	s31 =	smov.u32 s25;
	_ =	swait.ge @!p1 [sflag:s1], $0x4000  }
0x3d: {  	s13 =	sshra.s32 s28, $0x2;
	[sflag:s1] =	ssyncset.done @!p1 $0x0  }
0x3e: {  	[sflag:s1] =	ssyncadd.s32 @!p1 $0xFFFFC000;
	s1 =	sadd.s32 $0x180, s13  }
0x3f: {  	[tilespmem:s15], [sflag:$0x4] =	stream.indirect.gather [hbm4b:s3+s10], $0x80, s1, s10, $0xb8;
	[tilespmem:$0x16400] =	vst v63  }
0x40: {  	_ =	swait.ge [sflag:s16], $0x4000  }
0x41: {  	[sflag:s16] =	ssyncset.done $0x0  }
0x42: {  	[sflag:s16] =	ssyncadd.s32 $0xFFFFC000  }
0x43: {  	[hbm4b:s29+s2] =	stream.linear.scatter [tilespmem:s11], [sflag:$0x5], $0x4000, $0x38;
	[tilespmem:$0x16400] =	vst v63  }
0x44: {  	p1 =	seq.s32 s28, $0x18800;
	_ =	swait.ge [sflag:s17], $0x4000  }
0x45: {  	s1 =	sshra.s32 @!p1 s28, $0x2;
	s13 =	simm.s32 @!p1 $0x6400;
	[sflag:s17] =	ssyncset.done $0x0  }
0x46: {  	s4 =	simm.s32 @!p1 $0x80;
	s28 =	sadd.s32 @!p1 $0x200, s1;
	[sflag:s17] =	ssyncadd.s32 $0xFFFFC000  }
0x47: {  	[tilespmem:s13], [sflag:$0x1] =	stream.indirect.gather @!p1 [hbm4b:s3+s4], $0x80, s28, s4, $0xb8;
	[tilespmem:$0x16400] =	vst v63  }
0x48: {  	s13 =	sadd.s32 @!p1 $0x280, s1;
	s1 =	sadd.s32 @!p1 $0x300, s1;
	_ =	swait.ge [sflag:s18], $0x4000  }
0x49: {  	s28 =	smov.u32 s0;
	[sflag:s18] =	ssyncset.done $0x0  }
0x4a: {  	s0 =	sadd.s32 $0xFFFFF800, s26;
	[sflag:s18] =	ssyncadd.s32 $0xFFFFC000  }
0x4b: {  	[hbm4b:s0+s2] =	stream.linear.scatter [tilespmem:s12], [sflag:$0x6], $0x4000, $0x38;
	[tilespmem:$0x16400] =	vst v63  }
0x4c: {  	_ =	swait.ge [sflag:s19], $0x4000  }
0x4d: {  	[sflag:s19] =	ssyncset.done $0x0  }
0x4e: {  	s0 =	simm.s32 @!p1 $0xA400;
	[sflag:s19] =	ssyncadd.s32 $0xFFFFC000  }
0x4f: {  	[tilespmem:s0], [sflag:$0x2] =	stream.indirect.gather @!p1 [hbm4b:s3+s4], $0x80, s13, s4, $0xb8;
	[tilespmem:$0x16400] =	vst v63  }
0x50: {  	_ =	swait.ge [sflag:s20], $0x4000  }
0x51: {  	[sflag:s20] =	ssyncset.done $0x0  }
0x52: {  	[sflag:s20] =	ssyncadd.s32 $0xFFFFC000  }
0x53: {  	[hbm4b:s26+s2] =	stream.linear.scatter [tilespmem:s14], [sflag:$0x7], $0x4000, $0x38;
	[tilespmem:$0x16400] =	vst v63  }
0x54: {  	_ =	swait.ge [sflag:s21], $0x4000  }
.Ltmp0:
0x55: {  	[sflag:s21] =	ssyncset.done $0x0;
	(pc) =	sbr.rel @p0 .LBB2_2-.Ltmp0, $4  }
0x56: {  	s0 =	simm.s32 @!p1 $0xE400;
	[sflag:s21] =	ssyncadd.s32 $0xFFFFC000  }
0x57: {  	[tilespmem:s0], [sflag:$0x3] =	stream.indirect.gather @!p1 [hbm4b:s3+s4], $0x80, s1, s4, $0xb8;
	[tilespmem:$0x16400] =	vst v63  }
0x58: {  	s25 =	sadd.s32 $0x2000, s25;
	s26 =	sadd.s32 $0x2000, s26;
	_ =	swait.ge [sflag:s22], $0x4000  }
0x59: {  	s29 =	sadd.s32 $0x2000, s29;
	p1 =	seq.s32 s28, $0x0;
	[sflag:s22] =	ssyncset.done $0x0  }
0x5a: {  	s0 =	simm.s32 @!p1 $0x8;
	[sflag:s22] =	ssyncadd.s32 $0xFFFFC000  }
0x5b: {  	[hbm4b:s31+s2] =	stream.linear.scatter [tilespmem:s15], [sflag:$0x8], $0x4000, $0x38;
	[tilespmem:$0x16400] =	vst v63  }
0x5c: {  	_ =	swait.ge @!p1 [sflag:s0], $0x4000  }
0x5d: {  	s1 =	sshra.s32 s28, $0x2;
	[sflag:s0] =	ssyncset.done @!p1 $0x0  }
0x5e: {  	s30 =	sadd.s32 $0x180, s1;
	[sflag:s0] =	ssyncadd.s32 @!p1 $0xFFFFC000  }
0x5f: {  	[tilespmem:s15], [sflag:$0x4] =	stream.indirect.gather [hbm4b:s3+s10], $0x80, s30, s10, $0xb8;
	[tilespmem:$0x16400] =	vst v63  }
0x60: {  	_ =	swait.ge [sflag:s16], $0x4000  }
0x61: {  	[sflag:s16] =	ssyncset.done $0x0  }
0x62: {  	[sflag:s16] =	ssyncadd.s32 $0xFFFFC000  }
0x63: {  	[hbm4b:s29+s2] =	stream.linear.scatter [tilespmem:s11], [sflag:$0x5], $0x4000, $0x38;
	[tilespmem:$0x16400] =	vst v63  }
0x64: {  	p0 =	seq.s32 s28, $0x18800;
	_ =	swait.ge [sflag:s17], $0x4000  }
0x65: {  	s1 =	simm.s32 @!p0 $0x6400;
	s0 =	sshra.s32 @!p0 s28, $0x2;
	[sflag:s17] =	ssyncset.done $0x0  }
0x66: {  	s13 =	simm.s32 @!p0 $0x80;
	s4 =	sadd.s32 @!p0 $0x200, s0;
	[sflag:s17] =	ssyncadd.s32 $0xFFFFC000  }
0x67: {  	[tilespmem:s1], [sflag:$0x1] =	stream.indirect.gather @!p0 [hbm4b:s3+s13], $0x80, s4, s13, $0xb8;
	[tilespmem:$0x16400] =	vst v63  }
0x68: {  	_ =	swait.ge [sflag:s18], $0x4000  }
0x69: {  	[sflag:s18] =	ssyncset.done $0x0  }
0x6a: {  	s31 =	sadd.s32 $0xFFFFF800, s26;
	[sflag:s18] =	ssyncadd.s32 $0xFFFFC000  }
0x6b: {  	[hbm4b:s31+s2] =	stream.linear.scatter [tilespmem:s12], [sflag:$0x6], $0x4000, $0x38;
	[tilespmem:$0x16400] =	vst v63  }
0x6c: {  	_ =	swait.ge [sflag:s19], $0x4000  }
0x6d: {  	[sflag:s19] =	ssyncset.done $0x0  }
0x6e: {  	s1 =	sadd.s32 @!p0 $0x280, s0;
	s4 =	simm.s32 @!p0 $0xA400;
	[sflag:s19] =	ssyncadd.s32 $0xFFFFC000  }
0x6f: {  	[tilespmem:s4], [sflag:$0x2] =	stream.indirect.gather @!p0 [hbm4b:s3+s13], $0x80, s1, s13, $0xb8;
	[tilespmem:$0x16400] =	vst v63  }
0x70: {  	_ =	swait.ge [sflag:s20], $0x4000  }
0x71: {  	[sflag:s20] =	ssyncset.done $0x0  }
0x72: {  	[sflag:s20] =	ssyncadd.s32 $0xFFFFC000  }
0x73: {  	[hbm4b:s26+s2] =	stream.linear.scatter [tilespmem:s14], [sflag:$0x7], $0x4000, $0x38;
	[tilespmem:$0x16400] =	vst v63  }
0x74: {  	_ =	swait.ge [sflag:s21], $0x4000  }
0x75: {  	[sflag:s21] =	ssyncset.done $0x0  }
0x76: {  	s0 =	sadd.s32 @!p0 $0x300, s0;
	s1 =	simm.s32 @!p0 $0xE400;
	[sflag:s21] =	ssyncadd.s32 $0xFFFFC000  }
0x77: {  	[tilespmem:s1], [sflag:$0x3] =	stream.indirect.gather @!p0 [hbm4b:s3+s13], $0x80, s0, s13, $0xb8;
	[tilespmem:$0x16400] =	vst v63  }
0x78: {  	s24 =	sadd.s32 $0x1, s24;
	_ =	swait.ge [sflag:s22], $0x4000  }
0x79: {  	p0 =	sne.s32 s24, s5;
	[sflag:s22] =	ssyncset.done $0x0  }
.Ltmp1:
0x7a: {  	[sflag:s22] =	ssyncadd.s32 $0xFFFFC000;
	(pc) =	sbr.rel @p0 .LBB2_1-.Ltmp1, $4  }
0x7b: {  	[hbm4b:s25+s2] =	stream.linear.scatter [tilespmem:s15], [sflag:$0x8], $0x4000, $0x38;
	[tilespmem:$0x16400] =	vst v63  }
0x7c: {  	_ =	swait.ge [sflag:s23], $0x4000  }
0x7d: {  	[sflag:s23] =	ssyncset.done $0x0  }
0x7e: {  	[sflag:s23] =	ssyncadd.s32 $0xFFFFC000  }
0x7f: {  	_ =	sfence.sel $0x180000  }
0x80: {  	[bflag:$0x0] =	sbarrier.arrive $0xFFFF  }
0x81: {  	_ =	strace $0x90000047  }
0x82: {  	s0 =	stileid.u32;
	[bflag:$0x2] =	sbarrier.arrive $0xFFFF  }
0x83: {  	p0 =	sne.s32 s0, $0x0;
	s0 =	rddreg [dreg:$0x2]  }
0x84: {  	s0 =	sadd.s32 @!p0 $0x100000, s0  }
0x85: {  	[sflag:s0] =	ssyncadd.tile.s32 @!p0 $0x1;
	_ =	shalt  }
.Lfunc_end2:
_tile_overlayer_lowered:
.L_overlay_start_2:
0x86: {  	(tag) =	ssettag $0x2  }
0x87: {  	s0 =	rddreg [dreg:$0x0];
	s2 =	stileid.u32  }
0x88: {  	s1 =	rddreg [dreg:$0x1];
	p0 =	sne.s32 s2, $0x0  }
0x89: {  	s3 =	rddreg [dreg:$0x2];
	[bflag:$0x3] =	sbarrier.arrive $0xFFFF;
	s2 =	simm.s32 @!p0 $0x1C09  }
0x8a: {  	[timem:s3], [sflag:s2] =	dma.local @!p0 [hbm:s0], s1  }
0x8b: {  	s0 =	simm.s32 @!p0 $0x9  }
0x8c: {  	_ =	swait.ge @!p0 [sflag:s0], s1  }
0x8d: {  	s1 =	ssub.s32 @!p0 $0x0, s1;
	[sflag:s0] =	ssyncset.done @!p0 $0x0  }
0x8e: {  	[sflag:s0] =	ssyncadd.s32 @!p0 s1  }
0x8f: {  	[bflag:$0x3] =	sbarrier.arrive $0xFFFF  }
0x90: {  	_ =	shalt  }

</sc_bundles>
